<compile_context>
chip_gen: v7x
topology: tpu7x:2x2x1
jax: 0.10.2.dev20260603
libtpu: 0.0.44.dev20260713+nightly
codegen_flags: <defaults>
</compile_context>

<pallas_src>
import functools

import jax
import jax.numpy as jnp
from jax import lax
from jax.experimental import pallas as pl
from jax.experimental.pallas import tpu as pltpu
from jax.experimental.pallas import tpu_sc as plsc

B, S, D = 1, 2048, 1024
E, K = 16, 2
DFF = 704
DFF_SH = 1408

T = B * S
TK = T * K
TM = 256
NT = E + TK // TM
NR = NT * TM

NC, NS = 2, 16
NW = NC * NS

LCH = 128
NCH = TK // LCH

TT = 512
NTT = T // TT


def _gate_kernel(x_ref, gw_ref, w_ref, slot_ref, tbl_ref):
    x = x_ref[...]
    logits = jnp.dot(x, gw_ref[...].T, preferred_element_type=jnp.float32)
    m = jnp.max(logits, axis=-1, keepdims=True)
    ex = jnp.exp(logits - m)
    scores = ex / jnp.sum(ex, axis=-1, keepdims=True)

    iota = lax.broadcasted_iota(jnp.int32, scores.shape, 1)
    v1 = jnp.max(scores, axis=-1, keepdims=True)
    i1 = jnp.min(jnp.where(scores == v1, iota, E), axis=-1, keepdims=True)
    masked = jnp.where(iota == i1, -jnp.inf, scores)
    v2 = jnp.max(masked, axis=-1, keepdims=True)
    i2 = jnp.min(jnp.where(masked == v2, iota, E), axis=-1, keepdims=True)

    zf = jnp.zeros((T, 126), jnp.float32)
    w_ref[...] = jnp.concatenate([v1, v2, zf], axis=1)

    A = jnp.concatenate(
        [i1[:, 0].reshape(LCH, 16), i2[:, 0].reshape(LCH, 16)], axis=1
    ).astype(jnp.float32)

    CE_ = NCH * E
    rep = (lax.broadcasted_iota(jnp.int32, (NCH, CE_), 0)
           == lax.broadcasted_iota(jnp.int32, (NCH, CE_), 1) // E
           ).astype(jnp.float32)
    Aexp = jnp.dot(A, rep, preferred_element_type=jnp.float32)
    epat = (lax.broadcasted_iota(jnp.int32, (LCH, CE_), 1) % E
            ).astype(jnp.float32)
    X = (Aexp == epat).astype(jnp.float32)

    li = lax.broadcasted_iota(jnp.int32, (LCH, LCH), 0)
    lj = lax.broadcasted_iota(jnp.int32, (LCH, LCH), 1)
    tril = (lj < li).astype(jnp.float32)
    Sx = jnp.dot(tril, X, preferred_element_type=jnp.float32)
    tot = jnp.sum(X, axis=0, keepdims=True)

    cs_re = lax.broadcasted_iota(jnp.int32, (CE_, CE_), 0)
    cs_co = lax.broadcasted_iota(jnp.int32, (CE_, CE_), 1)
    csm = ((cs_re % E == cs_co % E) & (cs_re // E < cs_co // E)
           ).astype(jnp.float32)
    coff = jnp.dot(tot, csm, preferred_element_type=jnp.float32)

    cem = ((lax.broadcasted_iota(jnp.int32, (CE_, E), 0) % E)
           == lax.broadcasted_iota(jnp.int32, (CE_, E), 1)
           ).astype(jnp.float32)
    counts = jnp.dot(tot, cem, preferred_element_type=jnp.float32)

    ei = lax.broadcasted_iota(jnp.int32, (E, E), 0)
    ej = lax.broadcasted_iota(jnp.int32, (E, E), 1)
    tril_e = (ei < ej).astype(jnp.float32)
    tpe = jnp.floor((counts + (TM - 1)) * (1.0 / TM))
    ft = jnp.dot(tpe, tril_e, preferred_element_type=jnp.float32)

    fem = (lax.broadcasted_iota(jnp.int32, (E, CE_), 0)
           == lax.broadcasted_iota(jnp.int32, (E, CE_), 1) % E
           ).astype(jnp.float32)
    ftm = jnp.dot(ft, fem, preferred_element_type=jnp.float32)

    r = coff + Sx
    rq = jnp.floor(r * (1.0 / TM))
    rr = r - rq * TM
    ccm = ((lax.broadcasted_iota(jnp.int32, (CE_, NCH), 0) // E)
           == lax.broadcasted_iota(jnp.int32, (CE_, NCH), 1)
           ).astype(jnp.float32)
    tile_part = jnp.dot(X * (ftm + rq), ccm,
                        preferred_element_type=jnp.float32)
    rem_part = jnp.dot(X * rr, ccm,
                       preferred_element_type=jnp.float32)
    slot = tile_part * TM + rem_part
    slot_ref[...] = slot.astype(jnp.int32)

    ti = lax.broadcasted_iota(jnp.int32, (NT, E), 0).astype(jnp.float32)
    ftb = jnp.broadcast_to(ft, (NT, E))
    te = jnp.sum((ti >= ftb).astype(jnp.float32), axis=1, keepdims=True) - 1.0
    teo = (lax.broadcasted_iota(jnp.int32, (NT, E), 1).astype(jnp.float32)
           == te).astype(jnp.float32)
    cnt_te = jnp.sum(teo * counts, axis=1, keepdims=True)
    ft_te = jnp.sum(teo * ftb, axis=1, keepdims=True)
    within = ti[:, :1] - ft_te
    nrows = jnp.clip(cnt_te - within * TM, 0.0, TM)
    pad = jnp.zeros((NT, 126), jnp.float32)
    tbl_ref[...] = jnp.concatenate([te, nrows, pad], axis=1).astype(jnp.int32)


def _gate(x, gate_weight):
    return pl.pallas_call(
        _gate_kernel,
        out_shape=(
            jax.ShapeDtypeStruct((T, 128), jnp.float32),
            jax.ShapeDtypeStruct((LCH, NCH), jnp.int32),
            jax.ShapeDtypeStruct((NT, 128), jnp.int32),
        ),
    )(x, gate_weight)


def _make_sc_gather(nrows, ch):
    rpw = nrows // NW
    mesh = plsc.VectorSubcoreMesh(core_axis_name="c", subcore_axis_name="s")

    @functools.partial(
        pl.kernel,
        mesh=mesh,
        out_type=jax.ShapeDtypeStruct((nrows, D), jnp.float32),
        scratch_types=[
            pltpu.VMEM((ch,), jnp.int32),
            pltpu.VMEM((ch, D), jnp.float32),
            pltpu.SemaphoreType.DMA,
        ],
    )
    def k(table_hbm, idx_hbm, out_hbm, idx_v, rows_v, sem):
        wid = lax.axis_index("s") * NC + lax.axis_index("c")
        for c in range(rpw // ch):
            base = wid * rpw + c * ch
            pltpu.sync_copy(idx_hbm.at[pl.ds(base, ch)], idx_v)
            pltpu.async_copy(table_hbm.at[idx_v], rows_v, sem).wait()
            pltpu.sync_copy(rows_v, out_hbm.at[pl.ds(base, ch)])

    return k


def _gather_rows(table, idx, nrows, ch):
    return _make_sc_gather(nrows, ch)(table, idx)


def _gemm_kernel(te_ref, nr_ref, xs_ref, w_ref, guw_ref, dw_ref, out_ref):
    i = pl.program_id(0)

    @pl.when(nr_ref[i] > 0)
    def _():
        xb = xs_ref[...].astype(jnp.bfloat16)
        guw = guw_ref[0].astype(jnp.bfloat16)
        gu = jnp.dot(xb, guw.T, preferred_element_type=jnp.float32)
        g = gu[:, :DFF]
        u = gu[:, DFF:]
        h = (g * jax.nn.sigmoid(g)) * u
        out = jnp.dot(h.astype(jnp.bfloat16), dw_ref[0].astype(jnp.bfloat16).T,
                      preferred_element_type=jnp.float32)
        out_ref[...] = out * w_ref[0, 0, :][:, None]


def _grouped_gemm(te, nrows, xs, w_pad, guw, dw):
    grid_spec = pltpu.PrefetchScalarGridSpec(
        num_scalar_prefetch=2,
        grid=(NT,),
        in_specs=[
            pl.BlockSpec((TM, D), lambda i, te, nr: (i, 0)),
            pl.BlockSpec((1, 1, TM), lambda i, te, nr: (i, 0, 0)),
            pl.BlockSpec((1, 2 * DFF, D), lambda i, te, nr: (te[i], 0, 0)),
            pl.BlockSpec((1, D, DFF), lambda i, te, nr: (te[i], 0, 0)),
        ],
        out_specs=pl.BlockSpec((TM, D), lambda i, te, nr: (i, 0)),
    )
    return pl.pallas_call(
        _gemm_kernel,
        grid_spec=grid_spec,
        out_shape=jax.ShapeDtypeStruct((NR, D), jnp.float32),
    )(te, nrows, xs, w_pad, guw, dw)


def _shared_kernel(x_ref, sguw_ref, sdw_ref, a_ref, b_ref, y_ref):
    xb = x_ref[...].astype(jnp.bfloat16)
    sguw = sguw_ref[...].astype(jnp.bfloat16)
    su = jnp.dot(xb, sguw.T, preferred_element_type=jnp.float32)
    sg = su[:, :DFF_SH]
    up = su[:, DFF_SH:]
    hs = (sg * jax.nn.sigmoid(sg)) * up
    y = jnp.dot(hs.astype(jnp.bfloat16), sdw_ref[...].astype(jnp.bfloat16).T,
                preferred_element_type=jnp.float32)
    y_ref[...] = y + a_ref[...].astype(jnp.float32) \
        + b_ref[...].astype(jnp.float32)


def _shared_combine(x, sguw, sdw, ab_rows):
    return pl.pallas_call(
        _shared_kernel,
        grid=(NTT,),
        in_specs=[
            pl.BlockSpec((TT, D), lambda i: (i, 0)),
            pl.BlockSpec((2 * DFF_SH, D), lambda i: (0, 0)),
            pl.BlockSpec((D, DFF_SH), lambda i: (0, 0)),
            pl.BlockSpec((TT, D), lambda i: (i, 0)),
            pl.BlockSpec((TT, D), lambda i: (T // TT + i, 0)),
        ],
        out_specs=pl.BlockSpec((TT, D), lambda i: (i, 0)),
        out_shape=jax.ShapeDtypeStruct((T, D), jnp.float32),
    )(x, sguw, sdw, ab_rows, ab_rows)


@jax.jit
def kernel(hidden_states, gate_weight, gate_up_weights, down_weights,
           shared_gate_w, shared_up_w, shared_down_w):
    x = hidden_states.reshape(-1, D)
    sguw = jnp.concatenate([shared_gate_w, shared_up_w], axis=0)

    wout, slotmat, tbl = _gate(x, gate_weight)
    te = tbl[:, 0]
    nrows = tbl[:, 1]
    c0 = slotmat[:, :16].reshape(T)
    c1 = slotmat[:, 16:].reshape(T)
    cidx = jnp.concatenate([c0, c1])
    tw = jnp.concatenate([wout[:, 0], wout[:, 1]])
    ar = jnp.arange(T, dtype=jnp.int32)
    toks = jnp.concatenate([ar, ar])

    pad_ids = jnp.arange(NR, dtype=jnp.int32) % T
    gidx = pad_ids.at[cidx].set(toks)
    w_pad = jnp.zeros((NR,), jnp.float32).at[cidx].set(tw).reshape(NT, 1, TM)

    xs = _gather_rows(x, gidx, NR, 64)
    out_rows = _grouped_gemm(te, nrows, xs, w_pad, gate_up_weights,
                             down_weights)
    ab_rows = _gather_rows(out_rows, cidx, 2 * T, 64)
    y = _shared_combine(x, sguw, sdw=shared_down_w, ab_rows=ab_rows)

    return y.reshape(B, S, D)

# --- scband reference (transcript-rebuilt; emitter-appended) ---
"""Pipeline reference for scband-patched-deepseek-mo-e-75058848465334 (READ-ONLY COPY).

The authoritative reference and input builder live on the scoring server;
editing this copy changes nothing except your own understanding.
"""

import jax, jax.numpy as jnp
import numpy as np

B, S, D = 1, 2048, 1024
E, K = 16, 2
DFF = 704
DFF_SH = 1408


def setup_inputs(seed: int = 0) -> dict:
    key = jax.random.key(seed)
    ks = jax.random.split(key, 8)
    inp = {
        "hidden_states": jax.random.normal(ks[0], (B, S, D), dtype=jnp.float32),
        "gate_weight": jax.random.normal(ks[1], (E, D), dtype=jnp.float32) * 0.02,
        "gate_up_weights": jax.random.normal(ks[2], (E, 2 * DFF, D), dtype=jnp.float32) * (1.0 / np.sqrt(D)),
        "down_weights": jax.random.normal(ks[3], (E, D, DFF), dtype=jnp.float32) * (1.0 / np.sqrt(DFF)),
        "shared_gate_w": jax.random.normal(ks[4], (DFF_SH, D), dtype=jnp.float32) * (1.0 / np.sqrt(D)),
        "shared_up_w": jax.random.normal(ks[5], (DFF_SH, D), dtype=jnp.float32) * (1.0 / np.sqrt(D)),
        "shared_down_w": jax.random.normal(ks[6], (D, DFF_SH), dtype=jnp.float32) * (1.0 / np.sqrt(DFF_SH)),
    }
    return inp


def reference(hidden_states, gate_weight, gate_up_weights, down_weights, shared_gate_w, shared_up_w, shared_down_w):
    b, s, d = hidden_states.shape
    x = hidden_states.reshape(-1, d)
    T = x.shape[0]
    # gate: softmax over expert logits, top-k selection (renormalize=False)
    logits = x @ gate_weight.T
    scores = jax.nn.softmax(logits.astype(jnp.float32), axis=-1)
    topk_weight, topk_idx = jax.lax.top_k(scores, K)
    y = jnp.zeros((T, d), dtype=jnp.float32)
    # fused_moe equivalent: per-expert masked weighting -> SwiGLU MLP -> weighted accumulate
    for e in range(E):
        w_e = jnp.sum(jnp.where(topk_idx == e, topk_weight, jnp.float32(0.0)), axis=-1)
        Wg = gate_up_weights[e, :DFF]
        Wu = gate_up_weights[e, DFF:]
        h = jax.nn.silu(x @ Wg.T) * (x @ Wu.T)
        out = h @ down_weights[e].T
        y = y + out * w_e[:, None]
    # shared experts (always-on SwiGLU MLP on identity)
    hs = jax.nn.silu(x @ shared_gate_w.T) * (x @ shared_up_w.T)
    y = y + hs @ shared_down_w.T
    return y.reshape(b, s, d)

if __name__ == "__main__":
    import jax
    _d = setup_inputs()
    print(jax.jit(kernel)(*tuple(_d.values())))

</pallas_src>

<mosaic_0001>
#map = affine_map<(d0, d1) -> (0, 0)>
#map1 = affine_map<(d0, d1) -> (0)>
module attributes {stable_mosaic.version = 14 : i64} {
  func.func @k(%arg0: i32, %arg1: i32, %arg2: memref<8192x1024xf32, #tpu.memory_space<hbm>>, %arg3: memref<4096xi32, #tpu.memory_space<hbm>>, %arg4: memref<4096x1024xf32, #tpu.memory_space<hbm>>, %arg5: memref<64xi32, #tpu.memory_space<vmem>>, %arg6: memref<64x1024xf32, #tpu.memory_space<vmem>>, %arg7: memref<!tpu.dma_semaphore, #tpu.memory_space<semaphore_mem>>) attributes {dimension_semantics = [#tpu.dimension_semantics<core_parallel>, #tpu.dimension_semantics<subcore_parallel>], iteration_bounds = array<i64: 2, 16>, scalar_prefetch = 0 : i64, scratch_operands = 3 : i64, tpu.core_type = #tpu.core_type<sc_vector_subcore>, window_params = [{transform_indices = #map}, {transform_indices = #map1}, {transform_indices = #map}]} {
    %mul3A = arith.constant 2 : i32
    %mul3A_0 = arith.muli %arg1, %mul3A : i32
    %add3A = arith.addi %mul3A_0, %arg0 : i32
    %mul3A_1 = arith.constant 128 : i32
    %mul3A_2 = arith.muli %add3A, %mul3A_1 : i32
    %add3A_3 = arith.constant 0 : i32
    %add3A_4 = arith.addi %mul3A_2, %add3A_3 : i32
    "tpu.region"() ({
      %run_scoped3A = tpu.sem_alloc : memref<!tpu.dma_semaphore, #tpu.memory_space<semaphore_mem>>
      %dma_start3A_19 = tpu.memref_slice %arg3[%add3A_4] : memref<4096xi32, #tpu.memory_space<hbm>> -> memref<64xi32, #tpu.memory_space<hbm>>
      %dma_start3A_20 = tpu.memref_slice %arg3[%add3A_4] : memref<4096xi32, #tpu.memory_space<hbm>> -> memref<64xi32, #tpu.memory_space<hbm>>
      tpu.enqueue_dma source(%dma_start3A_20 : memref<64xi32, #tpu.memory_space<hbm>>) target(%arg5 : memref<64xi32, #tpu.memory_space<vmem>>) target_semaphore(%run_scoped3A : memref<!tpu.dma_semaphore, #tpu.memory_space<semaphore_mem>>)
      %dma_wait3A_21 = tpu.memref_slice %arg3[%add3A_4] : memref<4096xi32, #tpu.memory_space<hbm>> -> memref<64xi32, #tpu.memory_space<hbm>>
      %dma_wait3A_22 = tpu.memref_slice %arg3[%add3A_4] : memref<4096xi32, #tpu.memory_space<hbm>> -> memref<64xi32, #tpu.memory_space<hbm>>
      tpu.wait_dma2 semaphore(%run_scoped3A : memref<!tpu.dma_semaphore, #tpu.memory_space<semaphore_mem>>) src(%dma_wait3A_22 : memref<64xi32, #tpu.memory_space<hbm>>) dst(%arg5 : memref<64xi32, #tpu.memory_space<vmem>>)
      tpu.yield
    }) : () -> ()
    %dma_start3A = arith.constant 0 : i32
    %dma_start3A_5 = arith.constant 0 : i32
    %dma_start3A_6 = tpu.memref_slice %arg2[%dma_start3A, %dma_start3A_5] : memref<8192x1024xf32, #tpu.memory_space<hbm>> -> memref<8192x1024xf32, #tpu.memory_space<hbm>>
    tpu.enqueue_indirect_dma source(%dma_start3A_6 : memref<8192x1024xf32, #tpu.memory_space<hbm>>) target(%arg6 : memref<64x1024xf32, #tpu.memory_space<vmem>>) offsets(%arg5 : memref<64xi32, #tpu.memory_space<vmem>>) semaphore(%arg7 : memref<!tpu.dma_semaphore, #tpu.memory_space<semaphore_mem>>)
    %dma_wait3A = arith.constant 0 : i32
    %dma_wait3A_7 = arith.constant 0 : i32
    %dma_wait3A_8 = tpu.memref_slice %arg2[%dma_wait3A, %dma_wait3A_7] : memref<8192x1024xf32, #tpu.memory_space<hbm>> -> memref<8192x1024xf32, #tpu.memory_space<hbm>>
    tpu.wait_indirect_dma semaphore(%arg7 : memref<!tpu.dma_semaphore, #tpu.memory_space<semaphore_mem>>) src(%dma_wait3A_8 : memref<8192x1024xf32, #tpu.memory_space<hbm>>) dst(%arg6 : memref<64x1024xf32, #tpu.memory_space<vmem>>)
    "tpu.region"() ({
      %run_scoped3A = tpu.sem_alloc : memref<!tpu.dma_semaphore, #tpu.memory_space<semaphore_mem>>
      %dma_start3A_19 = arith.constant 0 : i32
      %dma_start3A_20 = tpu.memref_slice %arg4[%add3A_4, %dma_start3A_19] : memref<4096x1024xf32, #tpu.memory_space<hbm>> -> memref<64x1024xf32, #tpu.memory_space<hbm>>
      %dma_start3A_21 = arith.constant 0 : i32
      %dma_start3A_22 = tpu.memref_slice %arg4[%add3A_4, %dma_start3A_21] : memref<4096x1024xf32, #tpu.memory_space<hbm>> -> memref<64x1024xf32, #tpu.memory_space<hbm>>
      tpu.enqueue_dma source(%arg6 : memref<64x1024xf32, #tpu.memory_space<vmem>>) target(%dma_start3A_22 : memref<64x1024xf32, #tpu.memory_space<hbm>>) target_semaphore(%run_scoped3A : memref<!tpu.dma_semaphore, #tpu.memory_space<semaphore_mem>>)
      %dma_wait3A_23 = arith.constant 0 : i32
      %dma_wait3A_24 = tpu.memref_slice %arg4[%add3A_4, %dma_wait3A_23] : memref<4096x1024xf32, #tpu.memory_space<hbm>> -> memref<64x1024xf32, #tpu.memory_space<hbm>>
      %dma_wait3A_25 = arith.constant 0 : i32
      %dma_wait3A_26 = tpu.memref_slice %arg4[%add3A_4, %dma_wait3A_25] : memref<4096x1024xf32, #tpu.memory_space<hbm>> -> memref<64x1024xf32, #tpu.memory_space<hbm>>
      tpu.wait_dma2 semaphore(%run_scoped3A : memref<!tpu.dma_semaphore, #tpu.memory_space<semaphore_mem>>) src(%arg6 : memref<64x1024xf32, #tpu.memory_space<vmem>>) dst(%dma_wait3A_26 : memref<64x1024xf32, #tpu.memory_space<hbm>>)
      tpu.yield
    }) : () -> ()
    %mul3A_9 = arith.constant 128 : i32
    %mul3A_10 = arith.muli %add3A, %mul3A_9 : i32
    %add3A_11 = arith.constant 64 : i32
    %add3A_12 = arith.addi %mul3A_10, %add3A_11 : i32
    "tpu.region"() ({
      %run_scoped3A = tpu.sem_alloc : memref<!tpu.dma_semaphore, #tpu.memory_space<semaphore_mem>>
      %dma_start3A_19 = tpu.memref_slice %arg3[%add3A_12] : memref<4096xi32, #tpu.memory_space<hbm>> -> memref<64xi32, #tpu.memory_space<hbm>>
      %dma_start3A_20 = tpu.memref_slice %arg3[%add3A_12] : memref<4096xi32, #tpu.memory_space<hbm>> -> memref<64xi32, #tpu.memory_space<hbm>>
      tpu.enqueue_dma source(%dma_start3A_20 : memref<64xi32, #tpu.memory_space<hbm>>) target(%arg5 : memref<64xi32, #tpu.memory_space<vmem>>) target_semaphore(%run_scoped3A : memref<!tpu.dma_semaphore, #tpu.memory_space<semaphore_mem>>)
      %dma_wait3A_21 = tpu.memref_slice %arg3[%add3A_12] : memref<4096xi32, #tpu.memory_space<hbm>> -> memref<64xi32, #tpu.memory_space<hbm>>
      %dma_wait3A_22 = tpu.memref_slice %arg3[%add3A_12] : memref<4096xi32, #tpu.memory_space<hbm>> -> memref<64xi32, #tpu.memory_space<hbm>>
      tpu.wait_dma2 semaphore(%run_scoped3A : memref<!tpu.dma_semaphore, #tpu.memory_space<semaphore_mem>>) src(%dma_wait3A_22 : memref<64xi32, #tpu.memory_space<hbm>>) dst(%arg5 : memref<64xi32, #tpu.memory_space<vmem>>)
      tpu.yield
    }) : () -> ()
    %dma_start3A_13 = arith.constant 0 : i32
    %dma_start3A_14 = arith.constant 0 : i32
    %dma_start3A_15 = tpu.memref_slice %arg2[%dma_start3A_13, %dma_start3A_14] : memref<8192x1024xf32, #tpu.memory_space<hbm>> -> memref<8192x1024xf32, #tpu.memory_space<hbm>>
    tpu.enqueue_indirect_dma source(%dma_start3A_15 : memref<8192x1024xf32, #tpu.memory_space<hbm>>) target(%arg6 : memref<64x1024xf32, #tpu.memory_space<vmem>>) offsets(%arg5 : memref<64xi32, #tpu.memory_space<vmem>>) semaphore(%arg7 : memref<!tpu.dma_semaphore, #tpu.memory_space<semaphore_mem>>)
    %dma_wait3A_16 = arith.constant 0 : i32
    %dma_wait3A_17 = arith.constant 0 : i32
    %dma_wait3A_18 = tpu.memref_slice %arg2[%dma_wait3A_16, %dma_wait3A_17] : memref<8192x1024xf32, #tpu.memory_space<hbm>> -> memref<8192x1024xf32, #tpu.memory_space<hbm>>
    tpu.wait_indirect_dma semaphore(%arg7 : memref<!tpu.dma_semaphore, #tpu.memory_space<semaphore_mem>>) src(%dma_wait3A_18 : memref<8192x1024xf32, #tpu.memory_space<hbm>>) dst(%arg6 : memref<64x1024xf32, #tpu.memory_space<vmem>>)
    "tpu.region"() ({
      %run_scoped3A = tpu.sem_alloc : memref<!tpu.dma_semaphore, #tpu.memory_space<semaphore_mem>>
      %dma_start3A_19 = arith.constant 0 : i32
      %dma_start3A_20 = tpu.memref_slice %arg4[%add3A_12, %dma_start3A_19] : memref<4096x1024xf32, #tpu.memory_space<hbm>> -> memref<64x1024xf32, #tpu.memory_space<hbm>>
      %dma_start3A_21 = arith.constant 0 : i32
      %dma_start3A_22 = tpu.memref_slice %arg4[%add3A_12, %dma_start3A_21] : memref<4096x1024xf32, #tpu.memory_space<hbm>> -> memref<64x1024xf32, #tpu.memory_space<hbm>>
      tpu.enqueue_dma source(%arg6 : memref<64x1024xf32, #tpu.memory_space<vmem>>) target(%dma_start3A_22 : memref<64x1024xf32, #tpu.memory_space<hbm>>) target_semaphore(%run_scoped3A : memref<!tpu.dma_semaphore, #tpu.memory_space<semaphore_mem>>)
      %dma_wait3A_23 = arith.constant 0 : i32
      %dma_wait3A_24 = tpu.memref_slice %arg4[%add3A_12, %dma_wait3A_23] : memref<4096x1024xf32, #tpu.memory_space<hbm>> -> memref<64x1024xf32, #tpu.memory_space<hbm>>
      %dma_wait3A_25 = arith.constant 0 : i32
      %dma_wait3A_26 = tpu.memref_slice %arg4[%add3A_12, %dma_wait3A_25] : memref<4096x1024xf32, #tpu.memory_space<hbm>> -> memref<64x1024xf32, #tpu.memory_space<hbm>>
      tpu.wait_dma2 semaphore(%run_scoped3A : memref<!tpu.dma_semaphore, #tpu.memory_space<semaphore_mem>>) src(%arg6 : memref<64x1024xf32, #tpu.memory_space<vmem>>) dst(%dma_wait3A_26 : memref<64x1024xf32, #tpu.memory_space<hbm>>)
      tpu.yield
    }) : () -> ()
    return
  }
}

#map = affine_map<(d0, d1) -> (0, 0)>
#map1 = affine_map<(d0, d1) -> (0)>
module attributes {stable_mosaic.version = 14 : i64} {
  func.func @k(%arg0: i32, %arg1: i32, %arg2: memref<2048x1024xf32, #tpu.memory_space<hbm>>, %arg3: memref<8192xi32, #tpu.memory_space<hbm>>, %arg4: memref<8192x1024xf32, #tpu.memory_space<hbm>>, %arg5: memref<64xi32, #tpu.memory_space<vmem>>, %arg6: memref<64x1024xf32, #tpu.memory_space<vmem>>, %arg7: memref<!tpu.dma_semaphore, #tpu.memory_space<semaphore_mem>>) attributes {dimension_semantics = [#tpu.dimension_semantics<core_parallel>, #tpu.dimension_semantics<subcore_parallel>], iteration_bounds = array<i64: 2, 16>, scalar_prefetch = 0 : i64, scratch_operands = 3 : i64, tpu.core_type = #tpu.core_type<sc_vector_subcore>, window_params = [{transform_indices = #map}, {transform_indices = #map1}, {transform_indices = #map}]} {
    %mul3A = arith.constant 2 : i32
    %mul3A_0 = arith.muli %arg1, %mul3A : i32
    %add3A = arith.addi %mul3A_0, %arg0 : i32
    %mul3A_1 = arith.constant 256 : i32
    %mul3A_2 = arith.muli %add3A, %mul3A_1 : i32
    %add3A_3 = arith.constant 0 : i32
    %add3A_4 = arith.addi %mul3A_2, %add3A_3 : i32
    "tpu.region"() ({
      %run_scoped3A = tpu.sem_alloc : memref<!tpu.dma_semaphore, #tpu.memory_space<semaphore_mem>>
      %dma_start3A_39 = tpu.memref_slice %arg3[%add3A_4] : memref<8192xi32, #tpu.memory_space<hbm>> -> memref<64xi32, #tpu.memory_space<hbm>>
      %dma_start3A_40 = tpu.memref_slice %arg3[%add3A_4] : memref<8192xi32, #tpu.memory_space<hbm>> -> memref<64xi32, #tpu.memory_space<hbm>>
      tpu.enqueue_dma source(%dma_start3A_40 : memref<64xi32, #tpu.memory_space<hbm>>) target(%arg5 : memref<64xi32, #tpu.memory_space<vmem>>) target_semaphore(%run_scoped3A : memref<!tpu.dma_semaphore, #tpu.memory_space<semaphore_mem>>)
      %dma_wait3A_41 = tpu.memref_slice %arg3[%add3A_4] : memref<8192xi32, #tpu.memory_space<hbm>> -> memref<64xi32, #tpu.memory_space<hbm>>
      %dma_wait3A_42 = tpu.memref_slice %arg3[%add3A_4] : memref<8192xi32, #tpu.memory_space<hbm>> -> memref<64xi32, #tpu.memory_space<hbm>>
      tpu.wait_dma2 semaphore(%run_scoped3A : memref<!tpu.dma_semaphore, #tpu.memory_space<semaphore_mem>>) src(%dma_wait3A_42 : memref<64xi32, #tpu.memory_space<hbm>>) dst(%arg5 : memref<64xi32, #tpu.memory_space<vmem>>)
      tpu.yield
    }) : () -> ()
    %dma_start3A = arith.constant 0 : i32
    %dma_start3A_5 = arith.constant 0 : i32
    %dma_start3A_6 = tpu.memref_slice %arg2[%dma_start3A, %dma_start3A_5] : memref<2048x1024xf32, #tpu.memory_space<hbm>> -> memref<2048x1024xf32, #tpu.memory_space<hbm>>
    tpu.enqueue_indirect_dma source(%dma_start3A_6 : memref<2048x1024xf32, #tpu.memory_space<hbm>>) target(%arg6 : memref<64x1024xf32, #tpu.memory_space<vmem>>) offsets(%arg5 : memref<64xi32, #tpu.memory_space<vmem>>) semaphore(%arg7 : memref<!tpu.dma_semaphore, #tpu.memory_space<semaphore_mem>>)
    %dma_wait3A = arith.constant 0 : i32
    %dma_wait3A_7 = arith.constant 0 : i32
    %dma_wait3A_8 = tpu.memref_slice %arg2[%dma_wait3A, %dma_wait3A_7] : memref<2048x1024xf32, #tpu.memory_space<hbm>> -> memref<2048x1024xf32, #tpu.memory_space<hbm>>
    tpu.wait_indirect_dma semaphore(%arg7 : memref<!tpu.dma_semaphore, #tpu.memory_space<semaphore_mem>>) src(%dma_wait3A_8 : memref<2048x1024xf32, #tpu.memory_space<hbm>>) dst(%arg6 : memref<64x1024xf32, #tpu.memory_space<vmem>>)
    "tpu.region"() ({
      %run_scoped3A = tpu.sem_alloc : memref<!tpu.dma_semaphore, #tpu.memory_space<semaphore_mem>>
      %dma_start3A_39 = arith.constant 0 : i32
      %dma_start3A_40 = tpu.memref_slice %arg4[%add3A_4, %dma_start3A_39] : memref<8192x1024xf32, #tpu.memory_space<hbm>> -> memref<64x1024xf32, #tpu.memory_space<hbm>>
      %dma_start3A_41 = arith.constant 0 : i32
      %dma_start3A_42 = tpu.memref_slice %arg4[%add3A_4, %dma_start3A_41] : memref<8192x1024xf32, #tpu.memory_space<hbm>> -> memref<64x1024xf32, #tpu.memory_space<hbm>>
      tpu.enqueue_dma source(%arg6 : memref<64x1024xf32, #tpu.memory_space<vmem>>) target(%dma_start3A_42 : memref<64x1024xf32, #tpu.memory_space<hbm>>) target_semaphore(%run_scoped3A : memref<!tpu.dma_semaphore, #tpu.memory_space<semaphore_mem>>)
      %dma_wait3A_43 = arith.constant 0 : i32
      %dma_wait3A_44 = tpu.memref_slice %arg4[%add3A_4, %dma_wait3A_43] : memref<8192x1024xf32, #tpu.memory_space<hbm>> -> memref<64x1024xf32, #tpu.memory_space<hbm>>
      %dma_wait3A_45 = arith.constant 0 : i32
      %dma_wait3A_46 = tpu.memref_slice %arg4[%add3A_4, %dma_wait3A_45] : memref<8192x1024xf32, #tpu.memory_space<hbm>> -> memref<64x1024xf32, #tpu.memory_space<hbm>>
      tpu.wait_dma2 semaphore(%run_scoped3A : memref<!tpu.dma_semaphore, #tpu.memory_space<semaphore_mem>>) src(%arg6 : memref<64x1024xf32, #tpu.memory_space<vmem>>) dst(%dma_wait3A_46 : memref<64x1024xf32, #tpu.memory_space<hbm>>)
      tpu.yield
    }) : () -> ()
    %mul3A_9 = arith.constant 256 : i32
    %mul3A_10 = arith.muli %add3A, %mul3A_9 : i32
    %add3A_11 = arith.constant 64 : i32
    %add3A_12 = arith.addi %mul3A_10, %add3A_11 : i32
    "tpu.region"() ({
      %run_scoped3A = tpu.sem_alloc : memref<!tpu.dma_semaphore, #tpu.memory_space<semaphore_mem>>
      %dma_start3A_39 = tpu.memref_slice %arg3[%add3A_12] : memref<8192xi32, #tpu.memory_space<hbm>> -> memref<64xi32, #tpu.memory_space<hbm>>
      %dma_start3A_40 = tpu.memref_slice %arg3[%add3A_12] : memref<8192xi32, #tpu.memory_space<hbm>> -> memref<64xi32, #tpu.memory_space<hbm>>
      tpu.enqueue_dma source(%dma_start3A_40 : memref<64xi32, #tpu.memory_space<hbm>>) target(%arg5 : memref<64xi32, #tpu.memory_space<vmem>>) target_semaphore(%run_scoped3A : memref<!tpu.dma_semaphore, #tpu.memory_space<semaphore_mem>>)
      %dma_wait3A_41 = tpu.memref_slice %arg3[%add3A_12] : memref<8192xi32, #tpu.memory_space<hbm>> -> memref<64xi32, #tpu.memory_space<hbm>>
      %dma_wait3A_42 = tpu.memref_slice %arg3[%add3A_12] : memref<8192xi32, #tpu.memory_space<hbm>> -> memref<64xi32, #tpu.memory_space<hbm>>
      tpu.wait_dma2 semaphore(%run_scoped3A : memref<!tpu.dma_semaphore, #tpu.memory_space<semaphore_mem>>) src(%dma_wait3A_42 : memref<64xi32, #tpu.memory_space<hbm>>) dst(%arg5 : memref<64xi32, #tpu.memory_space<vmem>>)
      tpu.yield
    }) : () -> ()
    %dma_start3A_13 = arith.constant 0 : i32
    %dma_start3A_14 = arith.constant 0 : i32
    %dma_start3A_15 = tpu.memref_slice %arg2[%dma_start3A_13, %dma_start3A_14] : memref<2048x1024xf32, #tpu.memory_space<hbm>> -> memref<2048x1024xf32, #tpu.memory_space<hbm>>
    tpu.enqueue_indirect_dma source(%dma_start3A_15 : memref<2048x1024xf32, #tpu.memory_space<hbm>>) target(%arg6 : memref<64x1024xf32, #tpu.memory_space<vmem>>) offsets(%arg5 : memref<64xi32, #tpu.memory_space<vmem>>) semaphore(%arg7 : memref<!tpu.dma_semaphore, #tpu.memory_space<semaphore_mem>>)
    %dma_wait3A_16 = arith.constant 0 : i32
    %dma_wait3A_17 = arith.constant 0 : i32
    %dma_wait3A_18 = tpu.memref_slice %arg2[%dma_wait3A_16, %dma_wait3A_17] : memref<2048x1024xf32, #tpu.memory_space<hbm>> -> memref<2048x1024xf32, #tpu.memory_space<hbm>>
    tpu.wait_indirect_dma semaphore(%arg7 : memref<!tpu.dma_semaphore, #tpu.memory_space<semaphore_mem>>) src(%dma_wait3A_18 : memref<2048x1024xf32, #tpu.memory_space<hbm>>) dst(%arg6 : memref<64x1024xf32, #tpu.memory_space<vmem>>)
    "tpu.region"() ({
      %run_scoped3A = tpu.sem_alloc : memref<!tpu.dma_semaphore, #tpu.memory_space<semaphore_mem>>
      %dma_start3A_39 = arith.constant 0 : i32
      %dma_start3A_40 = tpu.memref_slice %arg4[%add3A_12, %dma_start3A_39] : memref<8192x1024xf32, #tpu.memory_space<hbm>> -> memref<64x1024xf32, #tpu.memory_space<hbm>>
      %dma_start3A_41 = arith.constant 0 : i32
      %dma_start3A_42 = tpu.memref_slice %arg4[%add3A_12, %dma_start3A_41] : memref<8192x1024xf32, #tpu.memory_space<hbm>> -> memref<64x1024xf32, #tpu.memory_space<hbm>>
      tpu.enqueue_dma source(%arg6 : memref<64x1024xf32, #tpu.memory_space<vmem>>) target(%dma_start3A_42 : memref<64x1024xf32, #tpu.memory_space<hbm>>) target_semaphore(%run_scoped3A : memref<!tpu.dma_semaphore, #tpu.memory_space<semaphore_mem>>)
      %dma_wait3A_43 = arith.constant 0 : i32
      %dma_wait3A_44 = tpu.memref_slice %arg4[%add3A_12, %dma_wait3A_43] : memref<8192x1024xf32, #tpu.memory_space<hbm>> -> memref<64x1024xf32, #tpu.memory_space<hbm>>
      %dma_wait3A_45 = arith.constant 0 : i32
      %dma_wait3A_46 = tpu.memref_slice %arg4[%add3A_12, %dma_wait3A_45] : memref<8192x1024xf32, #tpu.memory_space<hbm>> -> memref<64x1024xf32, #tpu.memory_space<hbm>>
      tpu.wait_dma2 semaphore(%run_scoped3A : memref<!tpu.dma_semaphore, #tpu.memory_space<semaphore_mem>>) src(%arg6 : memref<64x1024xf32, #tpu.memory_space<vmem>>) dst(%dma_wait3A_46 : memref<64x1024xf32, #tpu.memory_space<hbm>>)
      tpu.yield
    }) : () -> ()
    %mul3A_19 = arith.constant 256 : i32
    %mul3A_20 = arith.muli %add3A, %mul3A_19 : i32
    %add3A_21 = arith.constant 128 : i32
    %add3A_22 = arith.addi %mul3A_20, %add3A_21 : i32
    "tpu.region"() ({
      %run_scoped3A = tpu.sem_alloc : memref<!tpu.dma_semaphore, #tpu.memory_space<semaphore_mem>>
      %dma_start3A_39 = tpu.memref_slice %arg3[%add3A_22] : memref<8192xi32, #tpu.memory_space<hbm>> -> memref<64xi32, #tpu.memory_space<hbm>>
      %dma_start3A_40 = tpu.memref_slice %arg3[%add3A_22] : memref<8192xi32, #tpu.memory_space<hbm>> -> memref<64xi32, #tpu.memory_space<hbm>>
      tpu.enqueue_dma source(%dma_start3A_40 : memref<64xi32, #tpu.memory_space<hbm>>) target(%arg5 : memref<64xi32, #tpu.memory_space<vmem>>) target_semaphore(%run_scoped3A : memref<!tpu.dma_semaphore, #tpu.memory_space<semaphore_mem>>)
      %dma_wait3A_41 = tpu.memref_slice %arg3[%add3A_22] : memref<8192xi32, #tpu.memory_space<hbm>> -> memref<64xi32, #tpu.memory_space<hbm>>
      %dma_wait3A_42 = tpu.memref_slice %arg3[%add3A_22] : memref<8192xi32, #tpu.memory_space<hbm>> -> memref<64xi32, #tpu.memory_space<hbm>>
      tpu.wait_dma2 semaphore(%run_scoped3A : memref<!tpu.dma_semaphore, #tpu.memory_space<semaphore_mem>>) src(%dma_wait3A_42 : memref<64xi32, #tpu.memory_space<hbm>>) dst(%arg5 : memref<64xi32, #tpu.memory_space<vmem>>)
      tpu.yield
    }) : () -> ()
    %dma_start3A_23 = arith.constant 0 : i32
    %dma_start3A_24 = arith.constant 0 : i32
    %dma_start3A_25 = tpu.memref_slice %arg2[%dma_start3A_23, %dma_start3A_24] : memref<2048x1024xf32, #tpu.memory_space<hbm>> -> memref<2048x1024xf32, #tpu.memory_space<hbm>>
    tpu.enqueue_indirect_dma source(%dma_start3A_25 : memref<2048x1024xf32, #tpu.memory_space<hbm>>) target(%arg6 : memref<64x1024xf32, #tpu.memory_space<vmem>>) offsets(%arg5 : memref<64xi32, #tpu.memory_space<vmem>>) semaphore(%arg7 : memref<!tpu.dma_semaphore, #tpu.memory_space<semaphore_mem>>)
    %dma_wait3A_26 = arith.constant 0 : i32
    %dma_wait3A_27 = arith.constant 0 : i32
    %dma_wait3A_28 = tpu.memref_slice %arg2[%dma_wait3A_26, %dma_wait3A_27] : memref<2048x1024xf32, #tpu.memory_space<hbm>> -> memref<2048x1024xf32, #tpu.memory_space<hbm>>
    tpu.wait_indirect_dma semaphore(%arg7 : memref<!tpu.dma_semaphore, #tpu.memory_space<semaphore_mem>>) src(%dma_wait3A_28 : memref<2048x1024xf32, #tpu.memory_space<hbm>>) dst(%arg6 : memref<64x1024xf32, #tpu.memory_space<vmem>>)
    "tpu.region"() ({
      %run_scoped3A = tpu.sem_alloc : memref<!tpu.dma_semaphore, #tpu.memory_space<semaphore_mem>>
      %dma_start3A_39 = arith.constant 0 : i32
      %dma_start3A_40 = tpu.memref_slice %arg4[%add3A_22, %dma_start3A_39] : memref<8192x1024xf32, #tpu.memory_space<hbm>> -> memref<64x1024xf32, #tpu.memory_space<hbm>>
      %dma_start3A_41 = arith.constant 0 : i32
      %dma_start3A_42 = tpu.memref_slice %arg4[%add3A_22, %dma_start3A_41] : memref<8192x1024xf32, #tpu.memory_space<hbm>> -> memref<64x1024xf32, #tpu.memory_space<hbm>>
      tpu.enqueue_dma source(%arg6 : memref<64x1024xf32, #tpu.memory_space<vmem>>) target(%dma_start3A_42 : memref<64x1024xf32, #tpu.memory_space<hbm>>) target_semaphore(%run_scoped3A : memref<!tpu.dma_semaphore, #tpu.memory_space<semaphore_mem>>)
      %dma_wait3A_43 = arith.constant 0 : i32
      %dma_wait3A_44 = tpu.memref_slice %arg4[%add3A_22, %dma_wait3A_43] : memref<8192x1024xf32, #tpu.memory_space<hbm>> -> memref<64x1024xf32, #tpu.memory_space<hbm>>
      %dma_wait3A_45 = arith.constant 0 : i32
      %dma_wait3A_46 = tpu.memref_slice %arg4[%add3A_22, %dma_wait3A_45] : memref<8192x1024xf32, #tpu.memory_space<hbm>> -> memref<64x1024xf32, #tpu.memory_space<hbm>>
      tpu.wait_dma2 semaphore(%run_scoped3A : memref<!tpu.dma_semaphore, #tpu.memory_space<semaphore_mem>>) src(%arg6 : memref<64x1024xf32, #tpu.memory_space<vmem>>) dst(%dma_wait3A_46 : memref<64x1024xf32, #tpu.memory_space<hbm>>)
      tpu.yield
    }) : () -> ()
    %mul3A_29 = arith.constant 256 : i32
    %mul3A_30 = arith.muli %add3A, %mul3A_29 : i32
    %add3A_31 = arith.constant 192 : i32
    %add3A_32 = arith.addi %mul3A_30, %add3A_31 : i32
    "tpu.region"() ({
      %run_scoped3A = tpu.sem_alloc : memref<!tpu.dma_semaphore, #tpu.memory_space<semaphore_mem>>
      %dma_start3A_39 = tpu.memref_slice %arg3[%add3A_32] : memref<8192xi32, #tpu.memory_space<hbm>> -> memref<64xi32, #tpu.memory_space<hbm>>
      %dma_start3A_40 = tpu.memref_slice %arg3[%add3A_32] : memref<8192xi32, #tpu.memory_space<hbm>> -> memref<64xi32, #tpu.memory_space<hbm>>
      tpu.enqueue_dma source(%dma_start3A_40 : memref<64xi32, #tpu.memory_space<hbm>>) target(%arg5 : memref<64xi32, #tpu.memory_space<vmem>>) target_semaphore(%run_scoped3A : memref<!tpu.dma_semaphore, #tpu.memory_space<semaphore_mem>>)
      %dma_wait3A_41 = tpu.memref_slice %arg3[%add3A_32] : memref<8192xi32, #tpu.memory_space<hbm>> -> memref<64xi32, #tpu.memory_space<hbm>>
      %dma_wait3A_42 = tpu.memref_slice %arg3[%add3A_32] : memref<8192xi32, #tpu.memory_space<hbm>> -> memref<64xi32, #tpu.memory_space<hbm>>
      tpu.wait_dma2 semaphore(%run_scoped3A : memref<!tpu.dma_semaphore, #tpu.memory_space<semaphore_mem>>) src(%dma_wait3A_42 : memref<64xi32, #tpu.memory_space<hbm>>) dst(%arg5 : memref<64xi32, #tpu.memory_space<vmem>>)
      tpu.yield
    }) : () -> ()
    %dma_start3A_33 = arith.constant 0 : i32
    %dma_start3A_34 = arith.constant 0 : i32
    %dma_start3A_35 = tpu.memref_slice %arg2[%dma_start3A_33, %dma_start3A_34] : memref<2048x1024xf32, #tpu.memory_space<hbm>> -> memref<2048x1024xf32, #tpu.memory_space<hbm>>
    tpu.enqueue_indirect_dma source(%dma_start3A_35 : memref<2048x1024xf32, #tpu.memory_space<hbm>>) target(%arg6 : memref<64x1024xf32, #tpu.memory_space<vmem>>) offsets(%arg5 : memref<64xi32, #tpu.memory_space<vmem>>) semaphore(%arg7 : memref<!tpu.dma_semaphore, #tpu.memory_space<semaphore_mem>>)
    %dma_wait3A_36 = arith.constant 0 : i32
    %dma_wait3A_37 = arith.constant 0 : i32
    %dma_wait3A_38 = tpu.memref_slice %arg2[%dma_wait3A_36, %dma_wait3A_37] : memref<2048x1024xf32, #tpu.memory_space<hbm>> -> memref<2048x1024xf32, #tpu.memory_space<hbm>>
    tpu.wait_indirect_dma semaphore(%arg7 : memref<!tpu.dma_semaphore, #tpu.memory_space<semaphore_mem>>) src(%dma_wait3A_38 : memref<2048x1024xf32, #tpu.memory_space<hbm>>) dst(%arg6 : memref<64x1024xf32, #tpu.memory_space<vmem>>)
    "tpu.region"() ({
      %run_scoped3A = tpu.sem_alloc : memref<!tpu.dma_semaphore, #tpu.memory_space<semaphore_mem>>
      %dma_start3A_39 = arith.constant 0 : i32
      %dma_start3A_40 = tpu.memref_slice %arg4[%add3A_32, %dma_start3A_39] : memref<8192x1024xf32, #tpu.memory_space<hbm>> -> memref<64x1024xf32, #tpu.memory_space<hbm>>
      %dma_start3A_41 = arith.constant 0 : i32
      %dma_start3A_42 = tpu.memref_slice %arg4[%add3A_32, %dma_start3A_41] : memref<8192x1024xf32, #tpu.memory_space<hbm>> -> memref<64x1024xf32, #tpu.memory_space<hbm>>
      tpu.enqueue_dma source(%arg6 : memref<64x1024xf32, #tpu.memory_space<vmem>>) target(%dma_start3A_42 : memref<64x1024xf32, #tpu.memory_space<hbm>>) target_semaphore(%run_scoped3A : memref<!tpu.dma_semaphore, #tpu.memory_space<semaphore_mem>>)
      %dma_wait3A_43 = arith.constant 0 : i32
      %dma_wait3A_44 = tpu.memref_slice %arg4[%add3A_32, %dma_wait3A_43] : memref<8192x1024xf32, #tpu.memory_space<hbm>> -> memref<64x1024xf32, #tpu.memory_space<hbm>>
      %dma_wait3A_45 = arith.constant 0 : i32
      %dma_wait3A_46 = tpu.memref_slice %arg4[%add3A_32, %dma_wait3A_45] : memref<8192x1024xf32, #tpu.memory_space<hbm>> -> memref<64x1024xf32, #tpu.memory_space<hbm>>
      tpu.wait_dma2 semaphore(%run_scoped3A : memref<!tpu.dma_semaphore, #tpu.memory_space<semaphore_mem>>) src(%arg6 : memref<64x1024xf32, #tpu.memory_space<vmem>>) dst(%dma_wait3A_46 : memref<64x1024xf32, #tpu.memory_space<hbm>>)
      tpu.yield
    }) : () -> ()
    return
  }
}

module attributes {stable_mosaic.version = 14 : i64} {
  func.func @_gate_kernel(%arg0: memref<2048x1024xf32, #tpu.memory_space<vmem>>, %arg1: memref<16x1024xf32, #tpu.memory_space<vmem>>, %arg2: memref<2048x128xf32, #tpu.memory_space<vmem>>, %arg3: memref<128x32xi32, #tpu.memory_space<vmem>>, %arg4: memref<32x128xi32, #tpu.memory_space<vmem>>) attributes {dimension_semantics = [], scalar_prefetch = 0 : i64, scratch_operands = 0 : i64, tpu.core_type = #tpu.core_type<tc>} {
    %get3A = arith.constant 0 : index
    %get3A_0 = arith.constant 0 : index
    %get3A_1 = vector.load %arg0[%get3A, %get3A_0] : memref<2048x1024xf32, #tpu.memory_space<vmem>>, vector<2048x1024xf32>
    %get3A_2 = arith.constant 0 : index
    %get3A_3 = arith.constant 0 : index
    %get3A_4 = vector.load %arg1[%get3A_2, %get3A_3] : memref<16x1024xf32, #tpu.memory_space<vmem>>, vector<16x1024xf32>
    %transpose3A = tpu.transpose %get3A_4, [1, 0] : vector<16x1024xf32> -> vector<1024x16xf32>
    %dot_general3A = arith.constant dense<0.000000e+00> : vector<2048x16xf32>
    %dot_general3A_5 = tpu.matmul %get3A_1, %transpose3A, %dot_general3A {dimension_numbers = #tpu.dot_dimension_numbers<[1], [0], [0], [1], [0, 0, 1, 1], [], []>, transpose_lhs_hint = false} : vector<2048x1024xf32>, vector<1024x16xf32>, vector<2048x16xf32> -> vector<2048x16xf32>
    %reduce_max3A = arith.constant dense<0xFF800000> : vector<2048xf32>
    %reduce_max3A_6 = vector.multi_reduction <maximumf>, %dot_general3A_5, %reduce_max3A [1] : vector<2048x16xf32> to vector<2048xf32>
    %broadcast_in_dim3A = vector.shape_cast %reduce_max3A_6 : vector<2048xf32> to vector<2048x1xf32>
    %sub3A = vector.broadcast %broadcast_in_dim3A : vector<2048x1xf32> to vector<2048x16xf32>
    %sub3A_7 = arith.subf %dot_general3A_5, %sub3A : vector<2048x16xf32>
    %exp3A = math.exp %sub3A_7 : vector<2048x16xf32>
    %reduce_sum3A = arith.constant dense<0.000000e+00> : vector<2048xf32>
    %reduce_sum3A_8 = vector.multi_reduction <add>, %exp3A, %reduce_sum3A [1] : vector<2048x16xf32> to vector<2048xf32>
    %broadcast_in_dim3A_9 = vector.shape_cast %reduce_sum3A_8 : vector<2048xf32> to vector<2048x1xf32>
    %div3A = vector.broadcast %broadcast_in_dim3A_9 : vector<2048x1xf32> to vector<2048x16xf32>
    %div3A_10 = arith.divf %exp3A, %div3A : vector<2048x16xf32>
    %iota3A = tpu.iota {dimensions = array<i32: 1>} : vector<2048x16xi32>
    %reduce_max3A_11 = arith.constant dense<0xFF800000> : vector<2048xf32>
    %reduce_max3A_12 = vector.multi_reduction <maximumf>, %div3A_10, %reduce_max3A_11 [1] : vector<2048x16xf32> to vector<2048xf32>
    %broadcast_in_dim3A_13 = vector.shape_cast %reduce_max3A_12 : vector<2048xf32> to vector<2048x1xf32>
    %eq3A = vector.broadcast %broadcast_in_dim3A_13 : vector<2048x1xf32> to vector<2048x16xf32>
    %eq3A_14 = arith.cmpf oeq, %div3A_10, %eq3A : vector<2048x16xf32>
    %jit3A = arith.constant 16 : i32
    %broadcast_in_dim3A_15 = vector.broadcast %jit3A : i32 to vector<2048x16xi32>
    %select_n3A = arith.select %eq3A_14, %iota3A, %broadcast_in_dim3A_15 : vector<2048x16xi1>, vector<2048x16xi32>
    %reduce_min3A = arith.constant dense<2147483647> : vector<2048xi32>
    %reduce_min3A_16 = vector.multi_reduction <minsi>, %select_n3A, %reduce_min3A [1] : vector<2048x16xi32> to vector<2048xi32>
    %broadcast_in_dim3A_17 = vector.shape_cast %reduce_min3A_16 : vector<2048xi32> to vector<2048x1xi32>
    %eq3A_18 = vector.broadcast %broadcast_in_dim3A_17 : vector<2048x1xi32> to vector<2048x16xi32>
    %eq3A_19 = arith.cmpi eq, %iota3A, %eq3A_18 : vector<2048x16xi32>
    %jit3A_20 = arith.constant 0xFF800000 : f32
    %broadcast_in_dim3A_21 = vector.broadcast %jit3A_20 : f32 to vector<2048x16xf32>
    %select_n3A_22 = arith.select %eq3A_19, %broadcast_in_dim3A_21, %div3A_10 : vector<2048x16xi1>, vector<2048x16xf32>
    %reduce_max3A_23 = arith.constant dense<0xFF800000> : vector<2048xf32>
    %reduce_max3A_24 = vector.multi_reduction <maximumf>, %select_n3A_22, %reduce_max3A_23 [1] : vector<2048x16xf32> to vector<2048xf32>
    %broadcast_in_dim3A_25 = vector.shape_cast %reduce_max3A_24 : vector<2048xf32> to vector<2048x1xf32>
    %eq3A_26 = vector.broadcast %broadcast_in_dim3A_25 : vector<2048x1xf32> to vector<2048x16xf32>
    %eq3A_27 = arith.cmpf oeq, %select_n3A_22, %eq3A_26 : vector<2048x16xf32>
    %jit3A_28 = arith.constant 16 : i32
    %broadcast_in_dim3A_29 = vector.broadcast %jit3A_28 : i32 to vector<2048x16xi32>
    %select_n3A_30 = arith.select %eq3A_27, %iota3A, %broadcast_in_dim3A_29 : vector<2048x16xi1>, vector<2048x16xi32>
    %reduce_min3A_31 = arith.constant dense<2147483647> : vector<2048xi32>
    %reduce_min3A_32 = vector.multi_reduction <minsi>, %select_n3A_30, %reduce_min3A_31 [1] : vector<2048x16xi32> to vector<2048xi32>
    %broadcast_in_dim3A_33 = vector.shape_cast %reduce_min3A_32 : vector<2048xi32> to vector<2048x1xi32>
    %broadcast_in_dim3A_34 = arith.constant 0.000000e+00 : f32
    %broadcast_in_dim3A_35 = vector.broadcast %broadcast_in_dim3A_34 : f32 to vector<2048x126xf32>
    %concatenate3A = tpu.concatenate %broadcast_in_dim3A_13, %broadcast_in_dim3A_25, %broadcast_in_dim3A_35 in 1 : vector<2048x1xf32>, vector<2048x1xf32>, vector<2048x126xf32> -> vector<2048x128xf32>
    %swap3A = arith.constant 0 : index
    %swap3A_36 = arith.constant 0 : index
    %swap3A_37 = vector.load %arg2[%swap3A, %swap3A_36] : memref<2048x128xf32, #tpu.memory_space<vmem>>, vector<2048x128xf32>
    tpu.vector_store %arg2[%swap3A, %swap3A_36], %concatenate3A {strides = array<i32>} : memref<2048x128xf32, #tpu.memory_space<vmem>>, vector<2048x128xf32>,
    %squeeze3A = vector.shape_cast %broadcast_in_dim3A_17 : vector<2048x1xi32> to vector<2048xi32>
    %reshape3A = vector.shape_cast %squeeze3A : vector<2048xi32> to vector<128x16xi32>
    %squeeze3A_38 = vector.shape_cast %broadcast_in_dim3A_33 : vector<2048x1xi32> to vector<2048xi32>
    %reshape3A_39 = vector.shape_cast %squeeze3A_38 : vector<2048xi32> to vector<128x16xi32>
    %concatenate3A_40 = tpu.concatenate %reshape3A, %reshape3A_39 in 1 : vector<128x16xi32>, vector<128x16xi32> -> vector<128x32xi32>
    %convert_element_type3A = arith.sitofp %concatenate3A_40 : vector<128x32xi32> to vector<128x32xf32>
    %iota3A_41 = tpu.iota {dimensions = array<i32: 0>} : vector<32x512xi32>
    %iota3A_42 = tpu.iota {dimensions = array<i32: 1>} : vector<32x512xi32>
    %jit3A_43 = arith.constant 16 : i32
    %div3A_44 = vector.broadcast %jit3A_43 : i32 to vector<32x512xi32>
    %div3A_45 = arith.divsi %iota3A_42, %div3A_44 : vector<32x512xi32>
    %sign3A = arith.constant 0 : i32
    %sign3A_46 = vector.broadcast %sign3A : i32 to vector<32x512xi32>
    %sign3A_47 = arith.cmpi sgt, %iota3A_42, %sign3A_46 : vector<32x512xi32>
    %sign3A_48 = arith.extui %sign3A_47 : vector<32x512xi1> to vector<32x512xi32>
    %sign3A_49 = arith.constant 0 : i32
    %sign3A_50 = vector.broadcast %sign3A_49 : i32 to vector<32x512xi32>
    %sign3A_51 = arith.cmpi slt, %iota3A_42, %sign3A_50 : vector<32x512xi32>
    %sign3A_52 = arith.extui %sign3A_51 : vector<32x512xi1> to vector<32x512xi32>
    %sign3A_53 = arith.subi %sign3A_48, %sign3A_52 : vector<32x512xi32>
    %sign3A_54 = arith.constant 0 : i32
    %sign3A_55 = arith.cmpi sgt, %jit3A_43, %sign3A_54 : i32
    %sign3A_56 = arith.extui %sign3A_55 : i1 to i32
    %sign3A_57 = arith.constant 0 : i32
    %sign3A_58 = arith.cmpi slt, %jit3A_43, %sign3A_57 : i32
    %sign3A_59 = arith.extui %sign3A_58 : i1 to i32
    %sign3A_60 = arith.subi %sign3A_56, %sign3A_59 : i32
    %ne3A = vector.broadcast %sign3A_60 : i32 to vector<32x512xi32>
    %ne3A_61 = arith.cmpi ne, %sign3A_53, %ne3A : vector<32x512xi32>
    %rem3A = vector.broadcast %jit3A_43 : i32 to vector<32x512xi32>
    %rem3A_62 = arith.remsi %iota3A_42, %rem3A : vector<32x512xi32>
    %ne3A_63 = arith.constant 0 : i32
    %ne3A_64 = vector.broadcast %ne3A_63 : i32 to vector<32x512xi32>
    %ne3A_65 = arith.cmpi ne, %rem3A_62, %ne3A_64 : vector<32x512xi32>
    %and3A = arith.andi %ne3A_61, %ne3A_65 : vector<32x512xi1>
    %sub3A_66 = arith.constant 1 : i32
    %sub3A_67 = vector.broadcast %sub3A_66 : i32 to vector<32x512xi32>
    %sub3A_68 = arith.subi %div3A_45, %sub3A_67 : vector<32x512xi32>
    %select_n3A_69 = arith.select %and3A, %sub3A_68, %div3A_45 : vector<32x512xi1>, vector<32x512xi32>
    %eq3A_70 = arith.cmpi eq, %iota3A_41, %select_n3A_69 : vector<32x512xi32>
    %convert_element_type3A_71 = arith.extui %eq3A_70 : vector<32x512xi1> to vector<32x512xi32>
    %convert_element_type3A_72 = arith.sitofp %convert_element_type3A_71 : vector<32x512xi32> to vector<32x512xf32>
    %dot_general3A_73 = arith.constant dense<0.000000e+00> : vector<128x512xf32>
    %dot_general3A_74 = tpu.matmul %convert_element_type3A, %convert_element_type3A_72, %dot_general3A_73 {dimension_numbers = #tpu.dot_dimension_numbers<[1], [0], [0], [1], [0, 0, 1, 1], [], []>, transpose_lhs_hint = false} : vector<128x32xf32>, vector<32x512xf32>, vector<128x512xf32> -> vector<128x512xf32>
    %iota3A_75 = tpu.iota {dimensions = array<i32: 1>} : vector<128x512xi32>
    %jit3A_76 = arith.constant 16 : i32
    %eq3A_77 = arith.constant 0 : i32
    %eq3A_78 = arith.cmpi eq, %jit3A_76, %eq3A_77 : i32
    %jit3A_79 = arith.constant 1 : i32
    %select_n3A_80 = arith.select %eq3A_78, %jit3A_79, %jit3A_76 : i32
    %rem3A_81 = vector.broadcast %select_n3A_80 : i32 to vector<128x512xi32>
    %rem3A_82 = arith.remsi %iota3A_75, %rem3A_81 : vector<128x512xi32>
    %ne3A_83 = arith.constant 0 : i32
    %ne3A_84 = vector.broadcast %ne3A_83 : i32 to vector<128x512xi32>
    %ne3A_85 = arith.cmpi ne, %rem3A_82, %ne3A_84 : vector<128x512xi32>
    %lt3A = arith.constant 0 : i32
    %lt3A_86 = vector.broadcast %lt3A : i32 to vector<128x512xi32>
    %lt3A_87 = arith.cmpi slt, %rem3A_82, %lt3A_86 : vector<128x512xi32>
    %lt3A_88 = arith.constant 0 : i32
    %lt3A_89 = arith.cmpi slt, %select_n3A_80, %lt3A_88 : i32
    %ne3A_90 = vector.broadcast %lt3A_89 : i1 to vector<128x512xi1>
    %ne3A_91 = vector.broadcast %ne3A_90 : vector<128x512xi1> to vector<128x512xi1>
    %ne3A_92 = arith.xori %lt3A_87, %ne3A_91 : vector<128x512xi1>
    %and3A_93 = arith.andi %ne3A_92, %ne3A_85 : vector<128x512xi1>
    %add3A = vector.broadcast %select_n3A_80 : i32 to vector<128x512xi32>
    %add3A_94 = arith.addi %rem3A_82, %add3A : vector<128x512xi32>
    %select_n3A_95 = arith.select %and3A_93, %add3A_94, %rem3A_82 : vector<128x512xi1>, vector<128x512xi32>
    %convert_element_type3A_96 = arith.sitofp %select_n3A_95 : vector<128x512xi32> to vector<128x512xf32>
    %eq3A_97 = arith.cmpf oeq, %dot_general3A_74, %convert_element_type3A_96 : vector<128x512xf32>
    %convert_element_type3A_98 = arith.extui %eq3A_97 : vector<128x512xi1> to vector<128x512xi32>
    %convert_element_type3A_99 = arith.sitofp %convert_element_type3A_98 : vector<128x512xi32> to vector<128x512xf32>
    %iota3A_100 = tpu.iota {dimensions = array<i32: 0>} : vector<128x128xi32>
    %iota3A_101 = tpu.iota {dimensions = array<i32: 1>} : vector<128x128xi32>
    %lt3A_102 = arith.cmpi slt, %iota3A_101, %iota3A_100 : vector<128x128xi32>
    %convert_element_type3A_103 = arith.extui %lt3A_102 : vector<128x128xi1> to vector<128x128xi32>
    %convert_element_type3A_104 = arith.sitofp %convert_element_type3A_103 : vector<128x128xi32> to vector<128x128xf32>
    %dot_general3A_105 = arith.constant dense<0.000000e+00> : vector<128x512xf32>
    %dot_general3A_106 = tpu.matmul %convert_element_type3A_104, %convert_element_type3A_99, %dot_general3A_105 {dimension_numbers = #tpu.dot_dimension_numbers<[1], [0], [0], [1], [0, 0, 1, 1], [], []>, transpose_lhs_hint = false} : vector<128x128xf32>, vector<128x512xf32>, vector<128x512xf32> -> vector<128x512xf32>
    %reduce_sum3A_107 = arith.constant dense<0.000000e+00> : vector<512xf32>
    %reduce_sum3A_108 = vector.multi_reduction <add>, %convert_element_type3A_99, %reduce_sum3A_107 [0] : vector<128x512xf32> to vector<512xf32>
    %broadcast_in_dim3A_109 = vector.shape_cast %reduce_sum3A_108 : vector<512xf32> to vector<1x512xf32>
    %iota3A_110 = tpu.iota {dimensions = array<i32: 0>} : vector<512x512xi32>
    %iota3A_111 = tpu.iota {dimensions = array<i32: 1>} : vector<512x512xi32>
    %jit3A_112 = arith.constant 16 : i32
    %eq3A_113 = arith.constant 0 : i32
    %eq3A_114 = arith.cmpi eq, %jit3A_112, %eq3A_113 : i32
    %jit3A_115 = arith.constant 1 : i32
    %select_n3A_116 = arith.select %eq3A_114, %jit3A_115, %jit3A_112 : i32
    %rem3A_117 = vector.broadcast %select_n3A_116 : i32 to vector<512x512xi32>
    %rem3A_118 = arith.remsi %iota3A_110, %rem3A_117 : vector<512x512xi32>
    %ne3A_119 = arith.constant 0 : i32
    %ne3A_120 = vector.broadcast %ne3A_119 : i32 to vector<512x512xi32>
    %ne3A_121 = arith.cmpi ne, %rem3A_118, %ne3A_120 : vector<512x512xi32>
    %lt3A_122 = arith.constant 0 : i32
    %lt3A_123 = vector.broadcast %lt3A_122 : i32 to vector<512x512xi32>
    %lt3A_124 = arith.cmpi slt, %rem3A_118, %lt3A_123 : vector<512x512xi32>
    %lt3A_125 = arith.constant 0 : i32
    %lt3A_126 = arith.cmpi slt, %select_n3A_116, %lt3A_125 : i32
    %ne3A_127 = vector.broadcast %lt3A_126 : i1 to vector<512x512xi1>
    %ne3A_128 = vector.broadcast %ne3A_127 : vector<512x512xi1> to vector<512x512xi1>
    %ne3A_129 = arith.xori %lt3A_124, %ne3A_128 : vector<512x512xi1>
    %and3A_130 = arith.andi %ne3A_129, %ne3A_121 : vector<512x512xi1>
    %add3A_131 = vector.broadcast %select_n3A_116 : i32 to vector<512x512xi32>
    %add3A_132 = arith.addi %rem3A_118, %add3A_131 : vector<512x512xi32>
    %select_n3A_133 = arith.select %and3A_130, %add3A_132, %rem3A_118 : vector<512x512xi1>, vector<512x512xi32>
    %jit3A_134 = arith.constant 16 : i32
    %eq3A_135 = arith.constant 0 : i32
    %eq3A_136 = arith.cmpi eq, %jit3A_134, %eq3A_135 : i32
    %jit3A_137 = arith.constant 1 : i32
    %select_n3A_138 = arith.select %eq3A_136, %jit3A_137, %jit3A_134 : i32
    %rem3A_139 = vector.broadcast %select_n3A_138 : i32 to vector<512x512xi32>
    %rem3A_140 = arith.remsi %iota3A_111, %rem3A_139 : vector<512x512xi32>
    %ne3A_141 = arith.constant 0 : i32
    %ne3A_142 = vector.broadcast %ne3A_141 : i32 to vector<512x512xi32>
    %ne3A_143 = arith.cmpi ne, %rem3A_140, %ne3A_142 : vector<512x512xi32>
    %lt3A_144 = arith.constant 0 : i32
    %lt3A_145 = vector.broadcast %lt3A_144 : i32 to vector<512x512xi32>
    %lt3A_146 = arith.cmpi slt, %rem3A_140, %lt3A_145 : vector<512x512xi32>
    %lt3A_147 = arith.constant 0 : i32
    %lt3A_148 = arith.cmpi slt, %select_n3A_138, %lt3A_147 : i32
    %ne3A_149 = vector.broadcast %lt3A_148 : i1 to vector<512x512xi1>
    %ne3A_150 = vector.broadcast %ne3A_149 : vector<512x512xi1> to vector<512x512xi1>
    %ne3A_151 = arith.xori %lt3A_146, %ne3A_150 : vector<512x512xi1>
    %and3A_152 = arith.andi %ne3A_151, %ne3A_143 : vector<512x512xi1>
    %add3A_153 = vector.broadcast %select_n3A_138 : i32 to vector<512x512xi32>
    %add3A_154 = arith.addi %rem3A_140, %add3A_153 : vector<512x512xi32>
    %select_n3A_155 = arith.select %and3A_152, %add3A_154, %rem3A_140 : vector<512x512xi1>, vector<512x512xi32>
    %eq3A_156 = arith.cmpi eq, %select_n3A_133, %select_n3A_155 : vector<512x512xi32>
    %jit3A_157 = arith.constant 16 : i32
    %div3A_158 = vector.broadcast %jit3A_157 : i32 to vector<512x512xi32>
    %div3A_159 = arith.divsi %iota3A_110, %div3A_158 : vector<512x512xi32>
    %sign3A_160 = arith.constant 0 : i32
    %sign3A_161 = vector.broadcast %sign3A_160 : i32 to vector<512x512xi32>
    %sign3A_162 = arith.cmpi sgt, %iota3A_110, %sign3A_161 : vector<512x512xi32>
    %sign3A_163 = arith.extui %sign3A_162 : vector<512x512xi1> to vector<512x512xi32>
    %sign3A_164 = arith.constant 0 : i32
    %sign3A_165 = vector.broadcast %sign3A_164 : i32 to vector<512x512xi32>
    %sign3A_166 = arith.cmpi slt, %iota3A_110, %sign3A_165 : vector<512x512xi32>
    %sign3A_167 = arith.extui %sign3A_166 : vector<512x512xi1> to vector<512x512xi32>
    %sign3A_168 = arith.subi %sign3A_163, %sign3A_167 : vector<512x512xi32>
    %sign3A_169 = arith.constant 0 : i32
    %sign3A_170 = arith.cmpi sgt, %jit3A_157, %sign3A_169 : i32
    %sign3A_171 = arith.extui %sign3A_170 : i1 to i32
    %sign3A_172 = arith.constant 0 : i32
    %sign3A_173 = arith.cmpi slt, %jit3A_157, %sign3A_172 : i32
    %sign3A_174 = arith.extui %sign3A_173 : i1 to i32
    %sign3A_175 = arith.subi %sign3A_171, %sign3A_174 : i32
    %ne3A_176 = vector.broadcast %sign3A_175 : i32 to vector<512x512xi32>
    %ne3A_177 = arith.cmpi ne, %sign3A_168, %ne3A_176 : vector<512x512xi32>
    %rem3A_178 = vector.broadcast %jit3A_157 : i32 to vector<512x512xi32>
    %rem3A_179 = arith.remsi %iota3A_110, %rem3A_178 : vector<512x512xi32>
    %ne3A_180 = arith.constant 0 : i32
    %ne3A_181 = vector.broadcast %ne3A_180 : i32 to vector<512x512xi32>
    %ne3A_182 = arith.cmpi ne, %rem3A_179, %ne3A_181 : vector<512x512xi32>
    %and3A_183 = arith.andi %ne3A_177, %ne3A_182 : vector<512x512xi1>
    %sub3A_184 = arith.constant 1 : i32
    %sub3A_185 = vector.broadcast %sub3A_184 : i32 to vector<512x512xi32>
    %sub3A_186 = arith.subi %div3A_159, %sub3A_185 : vector<512x512xi32>
    %select_n3A_187 = arith.select %and3A_183, %sub3A_186, %div3A_159 : vector<512x512xi1>, vector<512x512xi32>
    %jit3A_188 = arith.constant 16 : i32
    %div3A_189 = vector.broadcast %jit3A_188 : i32 to vector<512x512xi32>
    %div3A_190 = arith.divsi %iota3A_111, %div3A_189 : vector<512x512xi32>
    %sign3A_191 = arith.constant 0 : i32
    %sign3A_192 = vector.broadcast %sign3A_191 : i32 to vector<512x512xi32>
    %sign3A_193 = arith.cmpi sgt, %iota3A_111, %sign3A_192 : vector<512x512xi32>
    %sign3A_194 = arith.extui %sign3A_193 : vector<512x512xi1> to vector<512x512xi32>
    %sign3A_195 = arith.constant 0 : i32
    %sign3A_196 = vector.broadcast %sign3A_195 : i32 to vector<512x512xi32>
    %sign3A_197 = arith.cmpi slt, %iota3A_111, %sign3A_196 : vector<512x512xi32>
    %sign3A_198 = arith.extui %sign3A_197 : vector<512x512xi1> to vector<512x512xi32>
    %sign3A_199 = arith.subi %sign3A_194, %sign3A_198 : vector<512x512xi32>
    %sign3A_200 = arith.constant 0 : i32
    %sign3A_201 = arith.cmpi sgt, %jit3A_188, %sign3A_200 : i32
    %sign3A_202 = arith.extui %sign3A_201 : i1 to i32
    %sign3A_203 = arith.constant 0 : i32
    %sign3A_204 = arith.cmpi slt, %jit3A_188, %sign3A_203 : i32
    %sign3A_205 = arith.extui %sign3A_204 : i1 to i32
    %sign3A_206 = arith.subi %sign3A_202, %sign3A_205 : i32
    %ne3A_207 = vector.broadcast %sign3A_206 : i32 to vector<512x512xi32>
    %ne3A_208 = arith.cmpi ne, %sign3A_199, %ne3A_207 : vector<512x512xi32>
    %rem3A_209 = vector.broadcast %jit3A_188 : i32 to vector<512x512xi32>
    %rem3A_210 = arith.remsi %iota3A_111, %rem3A_209 : vector<512x512xi32>
    %ne3A_211 = arith.constant 0 : i32
    %ne3A_212 = vector.broadcast %ne3A_211 : i32 to vector<512x512xi32>
    %ne3A_213 = arith.cmpi ne, %rem3A_210, %ne3A_212 : vector<512x512xi32>
    %and3A_214 = arith.andi %ne3A_208, %ne3A_213 : vector<512x512xi1>
    %sub3A_215 = arith.constant 1 : i32
    %sub3A_216 = vector.broadcast %sub3A_215 : i32 to vector<512x512xi32>
    %sub3A_217 = arith.subi %div3A_190, %sub3A_216 : vector<512x512xi32>
    %select_n3A_218 = arith.select %and3A_214, %sub3A_217, %div3A_190 : vector<512x512xi1>, vector<512x512xi32>
    %lt3A_219 = arith.cmpi slt, %select_n3A_187, %select_n3A_218 : vector<512x512xi32>
    %and3A_220 = arith.andi %eq3A_156, %lt3A_219 : vector<512x512xi1>
    %convert_element_type3A_221 = arith.extui %and3A_220 : vector<512x512xi1> to vector<512x512xi32>
    %convert_element_type3A_222 = arith.sitofp %convert_element_type3A_221 : vector<512x512xi32> to vector<512x512xf32>
    %dot_general3A_223 = arith.constant dense<0.000000e+00> : vector<1x512xf32>
    %dot_general3A_224 = tpu.matmul %broadcast_in_dim3A_109, %convert_element_type3A_222, %dot_general3A_223 {dimension_numbers = #tpu.dot_dimension_numbers<[1], [0], [0], [1], [0, 0, 1, 1], [], []>, transpose_lhs_hint = false} : vector<1x512xf32>, vector<512x512xf32>, vector<1x512xf32> -> vector<1x512xf32>
    %iota3A_225 = tpu.iota {dimensions = array<i32: 0>} : vector<512x16xi32>
    %jit3A_226 = arith.constant 16 : i32
    %eq3A_227 = arith.constant 0 : i32
    %eq3A_228 = arith.cmpi eq, %jit3A_226, %eq3A_227 : i32
    %jit3A_229 = arith.constant 1 : i32
    %select_n3A_230 = arith.select %eq3A_228, %jit3A_229, %jit3A_226 : i32
    %rem3A_231 = vector.broadcast %select_n3A_230 : i32 to vector<512x16xi32>
    %rem3A_232 = arith.remsi %iota3A_225, %rem3A_231 : vector<512x16xi32>
    %ne3A_233 = arith.constant 0 : i32
    %ne3A_234 = vector.broadcast %ne3A_233 : i32 to vector<512x16xi32>
    %ne3A_235 = arith.cmpi ne, %rem3A_232, %ne3A_234 : vector<512x16xi32>
    %lt3A_236 = arith.constant 0 : i32
    %lt3A_237 = vector.broadcast %lt3A_236 : i32 to vector<512x16xi32>
    %lt3A_238 = arith.cmpi slt, %rem3A_232, %lt3A_237 : vector<512x16xi32>
    %lt3A_239 = arith.constant 0 : i32
    %lt3A_240 = arith.cmpi slt, %select_n3A_230, %lt3A_239 : i32
    %ne3A_241 = vector.broadcast %lt3A_240 : i1 to vector<512x16xi1>
    %ne3A_242 = vector.broadcast %ne3A_241 : vector<512x16xi1> to vector<512x16xi1>
    %ne3A_243 = arith.xori %lt3A_238, %ne3A_242 : vector<512x16xi1>
    %and3A_244 = arith.andi %ne3A_243, %ne3A_235 : vector<512x16xi1>
    %add3A_245 = vector.broadcast %select_n3A_230 : i32 to vector<512x16xi32>
    %add3A_246 = arith.addi %rem3A_232, %add3A_245 : vector<512x16xi32>
    %select_n3A_247 = arith.select %and3A_244, %add3A_246, %rem3A_232 : vector<512x16xi1>, vector<512x16xi32>
    %iota3A_248 = tpu.iota {dimensions = array<i32: 1>} : vector<512x16xi32>
    %eq3A_249 = arith.cmpi eq, %select_n3A_247, %iota3A_248 : vector<512x16xi32>
    %convert_element_type3A_250 = arith.extui %eq3A_249 : vector<512x16xi1> to vector<512x16xi32>
    %convert_element_type3A_251 = arith.sitofp %convert_element_type3A_250 : vector<512x16xi32> to vector<512x16xf32>
    %dot_general3A_252 = arith.constant dense<0.000000e+00> : vector<1x16xf32>
    %dot_general3A_253 = tpu.matmul %broadcast_in_dim3A_109, %convert_element_type3A_251, %dot_general3A_252 {dimension_numbers = #tpu.dot_dimension_numbers<[1], [0], [0], [1], [0, 0, 1, 1], [], []>, transpose_lhs_hint = false} : vector<1x512xf32>, vector<512x16xf32>, vector<1x16xf32> -> vector<1x16xf32>
    %iota3A_254 = tpu.iota {dimensions = array<i32: 0>} : vector<16x16xi32>
    %iota3A_255 = tpu.iota {dimensions = array<i32: 1>} : vector<16x16xi32>
    %lt3A_256 = arith.cmpi slt, %iota3A_254, %iota3A_255 : vector<16x16xi32>
    %convert_element_type3A_257 = arith.extui %lt3A_256 : vector<16x16xi1> to vector<16x16xi32>
    %convert_element_type3A_258 = arith.sitofp %convert_element_type3A_257 : vector<16x16xi32> to vector<16x16xf32>
    %add3A_259 = arith.constant 2.550000e+02 : f32
    %add3A_260 = vector.broadcast %add3A_259 : f32 to vector<1x16xf32>
    %add3A_261 = arith.addf %dot_general3A_253, %add3A_260 : vector<1x16xf32>
    %mul3A = arith.constant 3.906250e-03 : f32
    %mul3A_262 = vector.broadcast %mul3A : f32 to vector<1x16xf32>
    %mul3A_263 = arith.mulf %add3A_261, %mul3A_262 : vector<1x16xf32>
    %floor3A = math.floor %mul3A_263 : vector<1x16xf32>
    %dot_general3A_264 = arith.constant dense<0.000000e+00> : vector<1x16xf32>
    %dot_general3A_265 = tpu.matmul %floor3A, %convert_element_type3A_258, %dot_general3A_264 {dimension_numbers = #tpu.dot_dimension_numbers<[1], [0], [0], [1], [0, 0, 1, 1], [], []>, transpose_lhs_hint = false} : vector<1x16xf32>, vector<16x16xf32>, vector<1x16xf32> -> vector<1x16xf32>
    %iota3A_266 = tpu.iota {dimensions = array<i32: 0>} : vector<16x512xi32>
    %iota3A_267 = tpu.iota {dimensions = array<i32: 1>} : vector<16x512xi32>
    %jit3A_268 = arith.constant 16 : i32
    %eq3A_269 = arith.constant 0 : i32
    %eq3A_270 = arith.cmpi eq, %jit3A_268, %eq3A_269 : i32
    %jit3A_271 = arith.constant 1 : i32
    %select_n3A_272 = arith.select %eq3A_270, %jit3A_271, %jit3A_268 : i32
    %rem3A_273 = vector.broadcast %select_n3A_272 : i32 to vector<16x512xi32>
    %rem3A_274 = arith.remsi %iota3A_267, %rem3A_273 : vector<16x512xi32>
    %ne3A_275 = arith.constant 0 : i32
    %ne3A_276 = vector.broadcast %ne3A_275 : i32 to vector<16x512xi32>
    %ne3A_277 = arith.cmpi ne, %rem3A_274, %ne3A_276 : vector<16x512xi32>
    %lt3A_278 = arith.constant 0 : i32
    %lt3A_279 = vector.broadcast %lt3A_278 : i32 to vector<16x512xi32>
    %lt3A_280 = arith.cmpi slt, %rem3A_274, %lt3A_279 : vector<16x512xi32>
    %lt3A_281 = arith.constant 0 : i32
    %lt3A_282 = arith.cmpi slt, %select_n3A_272, %lt3A_281 : i32
    %ne3A_283 = vector.broadcast %lt3A_282 : i1 to vector<16x512xi1>
    %ne3A_284 = vector.broadcast %ne3A_283 : vector<16x512xi1> to vector<16x512xi1>
    %ne3A_285 = arith.xori %lt3A_280, %ne3A_284 : vector<16x512xi1>
    %and3A_286 = arith.andi %ne3A_285, %ne3A_277 : vector<16x512xi1>
    %add3A_287 = vector.broadcast %select_n3A_272 : i32 to vector<16x512xi32>
    %add3A_288 = arith.addi %rem3A_274, %add3A_287 : vector<16x512xi32>
    %select_n3A_289 = arith.select %and3A_286, %add3A_288, %rem3A_274 : vector<16x512xi1>, vector<16x512xi32>
    %eq3A_290 = arith.cmpi eq, %iota3A_266, %select_n3A_289 : vector<16x512xi32>
    %convert_element_type3A_291 = arith.extui %eq3A_290 : vector<16x512xi1> to vector<16x512xi32>
    %convert_element_type3A_292 = arith.sitofp %convert_element_type3A_291 : vector<16x512xi32> to vector<16x512xf32>
    %dot_general3A_293 = arith.constant dense<0.000000e+00> : vector<1x512xf32>
    %dot_general3A_294 = tpu.matmul %dot_general3A_265, %convert_element_type3A_292, %dot_general3A_293 {dimension_numbers = #tpu.dot_dimension_numbers<[1], [0], [0], [1], [0, 0, 1, 1], [], []>, transpose_lhs_hint = false} : vector<1x16xf32>, vector<16x512xf32>, vector<1x512xf32> -> vector<1x512xf32>
    %add3A_295 = vector.broadcast %dot_general3A_224 : vector<1x512xf32> to vector<128x512xf32>
    %add3A_296 = arith.addf %add3A_295, %dot_general3A_106 : vector<128x512xf32>
    %mul3A_297 = arith.constant 3.906250e-03 : f32
    %mul3A_298 = vector.broadcast %mul3A_297 : f32 to vector<128x512xf32>
    %mul3A_299 = arith.mulf %add3A_296, %mul3A_298 : vector<128x512xf32>
    %floor3A_300 = math.floor %mul3A_299 : vector<128x512xf32>
    %mul3A_301 = arith.constant 2.560000e+02 : f32
    %mul3A_302 = vector.broadcast %mul3A_301 : f32 to vector<128x512xf32>
    %mul3A_303 = arith.mulf %floor3A_300, %mul3A_302 : vector<128x512xf32>
    %sub3A_304 = arith.subf %add3A_296, %mul3A_303 : vector<128x512xf32>
    %iota3A_305 = tpu.iota {dimensions = array<i32: 0>} : vector<512x32xi32>
    %jit3A_306 = arith.constant 16 : i32
    %div3A_307 = vector.broadcast %jit3A_306 : i32 to vector<512x32xi32>
    %div3A_308 = arith.divsi %iota3A_305, %div3A_307 : vector<512x32xi32>
    %sign3A_309 = arith.constant 0 : i32
    %sign3A_310 = vector.broadcast %sign3A_309 : i32 to vector<512x32xi32>
    %sign3A_311 = arith.cmpi sgt, %iota3A_305, %sign3A_310 : vector<512x32xi32>
    %sign3A_312 = arith.extui %sign3A_311 : vector<512x32xi1> to vector<512x32xi32>
    %sign3A_313 = arith.constant 0 : i32
    %sign3A_314 = vector.broadcast %sign3A_313 : i32 to vector<512x32xi32>
    %sign3A_315 = arith.cmpi slt, %iota3A_305, %sign3A_314 : vector<512x32xi32>
    %sign3A_316 = arith.extui %sign3A_315 : vector<512x32xi1> to vector<512x32xi32>
    %sign3A_317 = arith.subi %sign3A_312, %sign3A_316 : vector<512x32xi32>
    %sign3A_318 = arith.constant 0 : i32
    %sign3A_319 = arith.cmpi sgt, %jit3A_306, %sign3A_318 : i32
    %sign3A_320 = arith.extui %sign3A_319 : i1 to i32
    %sign3A_321 = arith.constant 0 : i32
    %sign3A_322 = arith.cmpi slt, %jit3A_306, %sign3A_321 : i32
    %sign3A_323 = arith.extui %sign3A_322 : i1 to i32
    %sign3A_324 = arith.subi %sign3A_320, %sign3A_323 : i32
    %ne3A_325 = vector.broadcast %sign3A_324 : i32 to vector<512x32xi32>
    %ne3A_326 = arith.cmpi ne, %sign3A_317, %ne3A_325 : vector<512x32xi32>
    %rem3A_327 = vector.broadcast %jit3A_306 : i32 to vector<512x32xi32>
    %rem3A_328 = arith.remsi %iota3A_305, %rem3A_327 : vector<512x32xi32>
    %ne3A_329 = arith.constant 0 : i32
    %ne3A_330 = vector.broadcast %ne3A_329 : i32 to vector<512x32xi32>
    %ne3A_331 = arith.cmpi ne, %rem3A_328, %ne3A_330 : vector<512x32xi32>
    %and3A_332 = arith.andi %ne3A_326, %ne3A_331 : vector<512x32xi1>
    %sub3A_333 = arith.constant 1 : i32
    %sub3A_334 = vector.broadcast %sub3A_333 : i32 to vector<512x32xi32>
    %sub3A_335 = arith.subi %div3A_308, %sub3A_334 : vector<512x32xi32>
    %select_n3A_336 = arith.select %and3A_332, %sub3A_335, %div3A_308 : vector<512x32xi1>, vector<512x32xi32>
    %iota3A_337 = tpu.iota {dimensions = array<i32: 1>} : vector<512x32xi32>
    %eq3A_338 = arith.cmpi eq, %select_n3A_336, %iota3A_337 : vector<512x32xi32>
    %convert_element_type3A_339 = arith.extui %eq3A_338 : vector<512x32xi1> to vector<512x32xi32>
    %convert_element_type3A_340 = arith.sitofp %convert_element_type3A_339 : vector<512x32xi32> to vector<512x32xf32>
    %add3A_341 = vector.broadcast %dot_general3A_294 : vector<1x512xf32> to vector<128x512xf32>
    %add3A_342 = arith.addf %add3A_341, %floor3A_300 : vector<128x512xf32>
    %mul3A_343 = arith.mulf %convert_element_type3A_99, %add3A_342 : vector<128x512xf32>
    %dot_general3A_344 = arith.constant dense<0.000000e+00> : vector<128x32xf32>
    %dot_general3A_345 = tpu.matmul %mul3A_343, %convert_element_type3A_340, %dot_general3A_344 {dimension_numbers = #tpu.dot_dimension_numbers<[1], [0], [0], [1], [0, 0, 1, 1], [], []>, transpose_lhs_hint = false} : vector<128x512xf32>, vector<512x32xf32>, vector<128x32xf32> -> vector<128x32xf32>
    %mul3A_346 = arith.mulf %convert_element_type3A_99, %sub3A_304 : vector<128x512xf32>
    %dot_general3A_347 = arith.constant dense<0.000000e+00> : vector<128x32xf32>
    %dot_general3A_348 = tpu.matmul %mul3A_346, %convert_element_type3A_340, %dot_general3A_347 {dimension_numbers = #tpu.dot_dimension_numbers<[1], [0], [0], [1], [0, 0, 1, 1], [], []>, transpose_lhs_hint = false} : vector<128x512xf32>, vector<512x32xf32>, vector<128x32xf32> -> vector<128x32xf32>
    %mul3A_349 = arith.constant 2.560000e+02 : f32
    %mul3A_350 = vector.broadcast %mul3A_349 : f32 to vector<128x32xf32>
    %mul3A_351 = arith.mulf %dot_general3A_345, %mul3A_350 : vector<128x32xf32>
    %add3A_352 = arith.addf %mul3A_351, %dot_general3A_348 : vector<128x32xf32>
    %convert_element_type3A_353 = arith.fptosi %add3A_352 : vector<128x32xf32> to vector<128x32xi32>
    %swap3A_354 = arith.constant 0 : index
    %swap3A_355 = arith.constant 0 : index
    %swap3A_356 = vector.load %arg3[%swap3A_354, %swap3A_355] : memref<128x32xi32, #tpu.memory_space<vmem>>, vector<128x32xi32>
    tpu.vector_store %arg3[%swap3A_354, %swap3A_355], %convert_element_type3A_353 {strides = array<i32>} : memref<128x32xi32, #tpu.memory_space<vmem>>, vector<128x32xi32>,
    %iota3A_357 = tpu.iota {dimensions = array<i32: 0>} : vector<32x16xi32>
    %convert_element_type3A_358 = arith.sitofp %iota3A_357 : vector<32x16xi32> to vector<32x16xf32>
    %broadcast_in_dim3A_359 = vector.shape_cast %dot_general3A_265 : vector<1x16xf32> to vector<1x16xf32>
    %broadcast_in_dim3A_360 = vector.broadcast %broadcast_in_dim3A_359 : vector<1x16xf32> to vector<32x16xf32>
    %ge3A = arith.cmpf oge, %convert_element_type3A_358, %broadcast_in_dim3A_360 : vector<32x16xf32>
    %convert_element_type3A_361 = arith.extui %ge3A : vector<32x16xi1> to vector<32x16xi32>
    %convert_element_type3A_362 = arith.sitofp %convert_element_type3A_361 : vector<32x16xi32> to vector<32x16xf32>
    %reduce_sum3A_363 = arith.constant dense<0.000000e+00> : vector<32xf32>
    %reduce_sum3A_364 = vector.multi_reduction <add>, %convert_element_type3A_362, %reduce_sum3A_363 [1] : vector<32x16xf32> to vector<32xf32>
    %broadcast_in_dim3A_365 = vector.shape_cast %reduce_sum3A_364 : vector<32xf32> to vector<32x1xf32>
    %sub3A_366 = arith.constant 1.000000e+00 : f32
    %sub3A_367 = vector.broadcast %sub3A_366 : f32 to vector<32x1xf32>
    %sub3A_368 = arith.subf %broadcast_in_dim3A_365, %sub3A_367 : vector<32x1xf32>
    %iota3A_369 = tpu.iota {dimensions = array<i32: 1>} : vector<32x16xi32>
    %convert_element_type3A_370 = arith.sitofp %iota3A_369 : vector<32x16xi32> to vector<32x16xf32>
    %eq3A_371 = vector.broadcast %sub3A_368 : vector<32x1xf32> to vector<32x16xf32>
    %eq3A_372 = arith.cmpf oeq, %convert_element_type3A_370, %eq3A_371 : vector<32x16xf32>
    %convert_element_type3A_373 = arith.extui %eq3A_372 : vector<32x16xi1> to vector<32x16xi32>
    %convert_element_type3A_374 = arith.sitofp %convert_element_type3A_373 : vector<32x16xi32> to vector<32x16xf32>
    %mul3A_375 = vector.broadcast %dot_general3A_253 : vector<1x16xf32> to vector<32x16xf32>
    %mul3A_376 = arith.mulf %convert_element_type3A_374, %mul3A_375 : vector<32x16xf32>
    %reduce_sum3A_377 = arith.constant dense<0.000000e+00> : vector<32xf32>
    %reduce_sum3A_378 = vector.multi_reduction <add>, %mul3A_376, %reduce_sum3A_377 [1] : vector<32x16xf32> to vector<32xf32>
    %broadcast_in_dim3A_379 = vector.shape_cast %reduce_sum3A_378 : vector<32xf32> to vector<32x1xf32>
    %mul3A_380 = arith.mulf %convert_element_type3A_374, %broadcast_in_dim3A_360 : vector<32x16xf32>
    %reduce_sum3A_381 = arith.constant dense<0.000000e+00> : vector<32xf32>
    %reduce_sum3A_382 = vector.multi_reduction <add>, %mul3A_380, %reduce_sum3A_381 [1] : vector<32x16xf32> to vector<32xf32>
    %broadcast_in_dim3A_383 = vector.shape_cast %reduce_sum3A_382 : vector<32xf32> to vector<32x1xf32>
    %slice3A = vector.extract_strided_slice %convert_element_type3A_358 {offsets = [0, 0], sizes = [32, 1], strides = [1, 1]} : vector<32x16xf32> to vector<32x1xf32>
    %sub3A_384 = arith.subf %slice3A, %broadcast_in_dim3A_383 : vector<32x1xf32>
    %mul3A_385 = arith.constant 2.560000e+02 : f32
    %mul3A_386 = vector.broadcast %mul3A_385 : f32 to vector<32x1xf32>
    %mul3A_387 = arith.mulf %sub3A_384, %mul3A_386 : vector<32x1xf32>
    %sub3A_388 = arith.subf %broadcast_in_dim3A_379, %mul3A_387 : vector<32x1xf32>
    %jit3A_389 = arith.constant 0.000000e+00 : f32
    %jit3A_390 = arith.constant 256 : i32
    %max3A = vector.broadcast %jit3A_389 : f32 to vector<32x1xf32>
    %max3A_391 = arith.maximumf %max3A, %sub3A_388 : vector<32x1xf32>
    %convert_element_type3A_392 = arith.sitofp %jit3A_390 : i32 to f32
    %min3A = vector.broadcast %convert_element_type3A_392 : f32 to vector<32x1xf32>
    %min3A_393 = arith.minimumf %min3A, %max3A_391 : vector<32x1xf32>
    %broadcast_in_dim3A_394 = arith.constant 0.000000e+00 : f32
    %broadcast_in_dim3A_395 = vector.broadcast %broadcast_in_dim3A_394 : f32 to vector<32x126xf32>
    %concatenate3A_396 = tpu.concatenate %sub3A_368, %min3A_393, %broadcast_in_dim3A_395 in 1 : vector<32x1xf32>, vector<32x1xf32>, vector<32x126xf32> -> vector<32x128xf32>
    %convert_element_type3A_397 = arith.fptosi %concatenate3A_396 : vector<32x128xf32> to vector<32x128xi32>
    %swap3A_398 = arith.constant 0 : index
    %swap3A_399 = arith.constant 0 : index
    %swap3A_400 = vector.load %arg4[%swap3A_398, %swap3A_399] : memref<32x128xi32, #tpu.memory_space<vmem>>, vector<32x128xi32>
    tpu.vector_store %arg4[%swap3A_398, %swap3A_399], %convert_element_type3A_397 {strides = array<i32>} : memref<32x128xi32, #tpu.memory_space<vmem>>, vector<32x128xi32>,
    return
  }
}

module attributes {stable_mosaic.version = 14 : i64} {
  func.func @_gemm_kernel(%arg0: i32, %arg1: memref<32xi32, #tpu.memory_space<smem>>, %arg2: memref<32xi32, #tpu.memory_space<smem>>, %arg3: memref<256x1024xf32, #tpu.memory_space<vmem>>, %arg4: memref<1x1x256xf32, #tpu.memory_space<vmem>>, %arg5: memref<1x1408x1024xf32, #tpu.memory_space<vmem>>, %arg6: memref<1x1024x704xf32, #tpu.memory_space<vmem>>, %arg7: memref<256x1024xf32, #tpu.memory_space<vmem>>) attributes {dimension_semantics = [#tpu.dimension_semantics<arbitrary>], iteration_bounds = array<i64: 32>, scalar_prefetch = 2 : i64, scratch_operands = 0 : i64, tpu.core_type = #tpu.core_type<tc>, window_params = [{transform_indices = @transform_0, window_bounds = array<i64: 256, 1024>}, {transform_indices = @transform_1, window_bounds = array<i64: 1, 1, 256>}, {transform_indices = @transform_2, window_bounds = array<i64: 1, 1408, 1024>}, {transform_indices = @transform_3, window_bounds = array<i64: 1, 1024, 704>}, {transform_indices = @transform_4, window_bounds = array<i64: 256, 1024>}]} {
    %get3A = arith.index_cast %arg0 : i32 to index
    %get3A_0 = memref.load %arg2[%get3A] : memref<32xi32, #tpu.memory_space<smem>>
    %gt3A = arith.constant 0 : i32
    %gt3A_1 = arith.cmpi sgt, %get3A_0, %gt3A : i32
    %convert_element_type3A = arith.extui %gt3A_1 : i1 to i32
    %cond3A = arith.constant 0 : i32
    %cond3A_2 = arith.cmpi ne, %convert_element_type3A, %cond3A : i32
    scf.if %cond3A_2 {
      %get3A_3 = arith.constant 0 : index
      %get3A_4 = arith.constant 0 : index
      %get3A_5 = vector.load %arg3[%get3A_3, %get3A_4] : memref<256x1024xf32, #tpu.memory_space<vmem>>, vector<256x1024xf32>
      %convert_element_type3A_6 = arith.truncf %get3A_5 : vector<256x1024xf32> to vector<256x1024xbf16>
      %get3A_7 = arith.constant 0 : index
      %get3A_8 = arith.constant 0 : index
      %get3A_9 = arith.constant 0 : index
      %get3A_10 = vector.load %arg5[%get3A_7, %get3A_8, %get3A_9] : memref<1x1408x1024xf32, #tpu.memory_space<vmem>>, vector<1x1408x1024xf32>
      %get3A_11 = vector.shape_cast %get3A_10 : vector<1x1408x1024xf32> to vector<1408x1024xf32>
      %convert_element_type3A_12 = arith.truncf %get3A_11 : vector<1408x1024xf32> to vector<1408x1024xbf16>
      %transpose3A = tpu.transpose %convert_element_type3A_12, [1, 0] : vector<1408x1024xbf16> -> vector<1024x1408xbf16>
      %dot_general3A = arith.constant dense<0.000000e+00> : vector<256x1408xf32>
      %dot_general3A_13 = tpu.matmul %convert_element_type3A_6, %transpose3A, %dot_general3A {dimension_numbers = #tpu.dot_dimension_numbers<[1], [0], [0], [1], [0, 0, 1, 1], [], []>, transpose_lhs_hint = false} : vector<256x1024xbf16>, vector<1024x1408xbf16>, vector<256x1408xf32> -> vector<256x1408xf32>
      %slice3A = vector.extract_strided_slice %dot_general3A_13 {offsets = [0, 0], sizes = [256, 704], strides = [1, 1]} : vector<256x1408xf32> to vector<256x704xf32>
      %slice3A_14 = vector.extract_strided_slice %dot_general3A_13 {offsets = [0, 704], sizes = [256, 704], strides = [1, 1]} : vector<256x1408xf32> to vector<256x704xf32>
      %logistic3A = arith.negf %slice3A : vector<256x704xf32>
      %logistic3A_15 = math.exp %logistic3A : vector<256x704xf32>
      %logistic3A_16 = arith.constant 1.000000e+00 : f32
      %logistic3A_17 = vector.broadcast %logistic3A_16 : f32 to vector<256x704xf32>
      %logistic3A_18 = arith.addf %logistic3A_17, %logistic3A_15 : vector<256x704xf32>
      %logistic3A_19 = arith.divf %logistic3A_17, %logistic3A_18 : vector<256x704xf32>
      %mul3A = arith.mulf %slice3A, %logistic3A_19 : vector<256x704xf32>
      %mul3A_20 = arith.mulf %mul3A, %slice3A_14 : vector<256x704xf32>
      %convert_element_type3A_21 = arith.truncf %mul3A_20 : vector<256x704xf32> to vector<256x704xbf16>
      %get3A_22 = arith.constant 0 : index
      %get3A_23 = arith.constant 0 : index
      %get3A_24 = arith.constant 0 : index
      %get3A_25 = vector.load %arg6[%get3A_22, %get3A_23, %get3A_24] : memref<1x1024x704xf32, #tpu.memory_space<vmem>>, vector<1x1024x704xf32>
      %get3A_26 = vector.shape_cast %get3A_25 : vector<1x1024x704xf32> to vector<1024x704xf32>
      %convert_element_type3A_27 = arith.truncf %get3A_26 : vector<1024x704xf32> to vector<1024x704xbf16>
      %transpose3A_28 = tpu.transpose %convert_element_type3A_27, [1, 0] : vector<1024x704xbf16> -> vector<704x1024xbf16>
      %dot_general3A_29 = arith.constant dense<0.000000e+00> : vector<256x1024xf32>
      %dot_general3A_30 = tpu.matmul %convert_element_type3A_21, %transpose3A_28, %dot_general3A_29 {dimension_numbers = #tpu.dot_dimension_numbers<[1], [0], [0], [1], [0, 0, 1, 1], [], []>, transpose_lhs_hint = false} : vector<256x704xbf16>, vector<704x1024xbf16>, vector<256x1024xf32> -> vector<256x1024xf32>
      %get3A_31 = arith.constant 0 : index
      %get3A_32 = arith.constant 0 : index
      %get3A_33 = arith.constant 0 : index
      %get3A_34 = vector.load %arg4[%get3A_31, %get3A_32, %get3A_33] : memref<1x1x256xf32, #tpu.memory_space<vmem>>, vector<1x1x256xf32>
      %get3A_35 = vector.shape_cast %get3A_34 : vector<1x1x256xf32> to vector<256xf32>
      %broadcast_in_dim3A = vector.shape_cast %get3A_35 : vector<256xf32> to vector<256x1xf32>
      %mul3A_36 = vector.broadcast %broadcast_in_dim3A : vector<256x1xf32> to vector<256x1024xf32>
      %mul3A_37 = arith.mulf %dot_general3A_30, %mul3A_36 : vector<256x1024xf32>
      %swap3A = arith.constant 0 : index
      %swap3A_38 = arith.constant 0 : index
      %swap3A_39 = vector.load %arg7[%swap3A, %swap3A_38] : memref<256x1024xf32, #tpu.memory_space<vmem>>, vector<256x1024xf32>
      tpu.vector_store %arg7[%swap3A, %swap3A_38], %mul3A_37 {strides = array<i32>} : memref<256x1024xf32, #tpu.memory_space<vmem>>, vector<256x1024xf32>,
    } else {
    }
    return
  }
  func.func @transform_0(%arg0: i32, %arg1: memref<32xi32, #tpu.memory_space<smem>>, %arg2: memref<32xi32, #tpu.memory_space<smem>>) -> (i32, i32) {
    %c0_i32 = arith.constant 0 : i32
    %c0_i32_0 = arith.constant 0 : i32
    return %arg0, %c0_i32 : i32, i32
  }
  func.func @transform_1(%arg0: i32, %arg1: memref<32xi32, #tpu.memory_space<smem>>, %arg2: memref<32xi32, #tpu.memory_space<smem>>) -> (i32, i32, i32) {
    %c0_i32 = arith.constant 0 : i32
    %c0_i32_0 = arith.constant 0 : i32
    %c0_i32_1 = arith.constant 0 : i32
    return %arg0, %c0_i32, %c0_i32_0 : i32, i32, i32
  }
  func.func @transform_2(%arg0: i32, %arg1: memref<32xi32, #tpu.memory_space<smem>>, %arg2: memref<32xi32, #tpu.memory_space<smem>>) -> (i32, i32, i32) {
    %get3A = arith.index_cast %arg0 : i32 to index
    %get3A_0 = memref.load %arg1[%get3A] : memref<32xi32, #tpu.memory_space<smem>>
    %c0_i32 = arith.constant 0 : i32
    %c0_i32_1 = arith.constant 0 : i32
    %c0_i32_2 = arith.constant 0 : i32
    return %get3A_0, %c0_i32, %c0_i32_1 : i32, i32, i32
  }
  func.func @transform_3(%arg0: i32, %arg1: memref<32xi32, #tpu.memory_space<smem>>, %arg2: memref<32xi32, #tpu.memory_space<smem>>) -> (i32, i32, i32) {
    %get3A = arith.index_cast %arg0 : i32 to index
    %get3A_0 = memref.load %arg1[%get3A] : memref<32xi32, #tpu.memory_space<smem>>
    %c0_i32 = arith.constant 0 : i32
    %c0_i32_1 = arith.constant 0 : i32
    %c0_i32_2 = arith.constant 0 : i32
    return %get3A_0, %c0_i32, %c0_i32_1 : i32, i32, i32
  }
  func.func @transform_4(%arg0: i32, %arg1: memref<32xi32, #tpu.memory_space<smem>>, %arg2: memref<32xi32, #tpu.memory_space<smem>>) -> (i32, i32) {
    %c0_i32 = arith.constant 0 : i32
    %c0_i32_0 = arith.constant 0 : i32
    return %arg0, %c0_i32 : i32, i32
  }
}

module attributes {stable_mosaic.version = 14 : i64} {
  func.func @_shared_kernel(%arg0: i32, %arg1: memref<512x1024xf32, #tpu.memory_space<vmem>>, %arg2: memref<2816x1024xf32, #tpu.memory_space<vmem>>, %arg3: memref<1024x1408xf32, #tpu.memory_space<vmem>>, %arg4: memref<512x1024xf32, #tpu.memory_space<vmem>>, %arg5: memref<512x1024xf32, #tpu.memory_space<vmem>>, %arg6: memref<512x1024xf32, #tpu.memory_space<vmem>>) attributes {dimension_semantics = [#tpu.dimension_semantics<arbitrary>], iteration_bounds = array<i64: 4>, scalar_prefetch = 0 : i64, scratch_operands = 0 : i64, tpu.core_type = #tpu.core_type<tc>, window_params = [{transform_indices = @transform_0, window_bounds = array<i64: 512, 1024>}, {pipeline_mode = #tpu.pipeline_mode<synchronous>, transform_indices = @transform_1, window_bounds = array<i64: 2816, 1024>}, {pipeline_mode = #tpu.pipeline_mode<synchronous>, transform_indices = @transform_2, window_bounds = array<i64: 1024, 1408>}, {transform_indices = @transform_3, window_bounds = array<i64: 512, 1024>}, {transform_indices = @transform_4, window_bounds = array<i64: 512, 1024>}, {transform_indices = @transform_5, window_bounds = array<i64: 512, 1024>}]} {
    %get3A = arith.constant 0 : index
    %get3A_0 = arith.constant 0 : index
    %get3A_1 = vector.load %arg1[%get3A, %get3A_0] : memref<512x1024xf32, #tpu.memory_space<vmem>>, vector<512x1024xf32>
    %convert_element_type3A = arith.truncf %get3A_1 : vector<512x1024xf32> to vector<512x1024xbf16>
    %get3A_2 = arith.constant 0 : index
    %get3A_3 = arith.constant 0 : index
    %get3A_4 = vector.load %arg2[%get3A_2, %get3A_3] : memref<2816x1024xf32, #tpu.memory_space<vmem>>, vector<2816x1024xf32>
    %convert_element_type3A_5 = arith.truncf %get3A_4 : vector<2816x1024xf32> to vector<2816x1024xbf16>
    %transpose3A = tpu.transpose %convert_element_type3A_5, [1, 0] : vector<2816x1024xbf16> -> vector<1024x2816xbf16>
    %dot_general3A = arith.constant dense<0.000000e+00> : vector<512x2816xf32>
    %dot_general3A_6 = tpu.matmul %convert_element_type3A, %transpose3A, %dot_general3A {dimension_numbers = #tpu.dot_dimension_numbers<[1], [0], [0], [1], [0, 0, 1, 1], [], []>, transpose_lhs_hint = false} : vector<512x1024xbf16>, vector<1024x2816xbf16>, vector<512x2816xf32> -> vector<512x2816xf32>
    %slice3A = vector.extract_strided_slice %dot_general3A_6 {offsets = [0, 0], sizes = [512, 1408], strides = [1, 1]} : vector<512x2816xf32> to vector<512x1408xf32>
    %slice3A_7 = vector.extract_strided_slice %dot_general3A_6 {offsets = [0, 1408], sizes = [512, 1408], strides = [1, 1]} : vector<512x2816xf32> to vector<512x1408xf32>
    %logistic3A = arith.negf %slice3A : vector<512x1408xf32>
    %logistic3A_8 = math.exp %logistic3A : vector<512x1408xf32>
    %logistic3A_9 = arith.constant 1.000000e+00 : f32
    %logistic3A_10 = vector.broadcast %logistic3A_9 : f32 to vector<512x1408xf32>
    %logistic3A_11 = arith.addf %logistic3A_10, %logistic3A_8 : vector<512x1408xf32>
    %logistic3A_12 = arith.divf %logistic3A_10, %logistic3A_11 : vector<512x1408xf32>
    %mul3A = arith.mulf %slice3A, %logistic3A_12 : vector<512x1408xf32>
    %mul3A_13 = arith.mulf %mul3A, %slice3A_7 : vector<512x1408xf32>
    %convert_element_type3A_14 = arith.truncf %mul3A_13 : vector<512x1408xf32> to vector<512x1408xbf16>
    %get3A_15 = arith.constant 0 : index
    %get3A_16 = arith.constant 0 : index
    %get3A_17 = vector.load %arg3[%get3A_15, %get3A_16] : memref<1024x1408xf32, #tpu.memory_space<vmem>>, vector<1024x1408xf32>
    %convert_element_type3A_18 = arith.truncf %get3A_17 : vector<1024x1408xf32> to vector<1024x1408xbf16>
    %transpose3A_19 = tpu.transpose %convert_element_type3A_18, [1, 0] : vector<1024x1408xbf16> -> vector<1408x1024xbf16>
    %dot_general3A_20 = arith.constant dense<0.000000e+00> : vector<512x1024xf32>
    %dot_general3A_21 = tpu.matmul %convert_element_type3A_14, %transpose3A_19, %dot_general3A_20 {dimension_numbers = #tpu.dot_dimension_numbers<[1], [0], [0], [1], [0, 0, 1, 1], [], []>, transpose_lhs_hint = false} : vector<512x1408xbf16>, vector<1408x1024xbf16>, vector<512x1024xf32> -> vector<512x1024xf32>
    %get3A_22 = arith.constant 0 : index
    %get3A_23 = arith.constant 0 : index
    %get3A_24 = vector.load %arg4[%get3A_22, %get3A_23] : memref<512x1024xf32, #tpu.memory_space<vmem>>, vector<512x1024xf32>
    %add3A = arith.addf %dot_general3A_21, %get3A_24 : vector<512x1024xf32>
    %get3A_25 = arith.constant 0 : index
    %get3A_26 = arith.constant 0 : index
    %get3A_27 = vector.load %arg5[%get3A_25, %get3A_26] : memref<512x1024xf32, #tpu.memory_space<vmem>>, vector<512x1024xf32>
    %add3A_28 = arith.addf %add3A, %get3A_27 : vector<512x1024xf32>
    %swap3A = arith.constant 0 : index
    %swap3A_29 = arith.constant 0 : index
    %swap3A_30 = vector.load %arg6[%swap3A, %swap3A_29] : memref<512x1024xf32, #tpu.memory_space<vmem>>, vector<512x1024xf32>
    tpu.vector_store %arg6[%swap3A, %swap3A_29], %add3A_28 {strides = array<i32>} : memref<512x1024xf32, #tpu.memory_space<vmem>>, vector<512x1024xf32>,
    return
  }
  func.func @transform_0(%arg0: i32) -> (i32, i32) {
    %c0_i32 = arith.constant 0 : i32
    %c0_i32_0 = arith.constant 0 : i32
    return %arg0, %c0_i32 : i32, i32
  }
  func.func @transform_1(%arg0: i32) -> (i32, i32) {
    %c0_i32 = arith.constant 0 : i32
    %c0_i32_0 = arith.constant 0 : i32
    %c0_i32_1 = arith.constant 0 : i32
    return %c0_i32, %c0_i32_0 : i32, i32
  }
  func.func @transform_2(%arg0: i32) -> (i32, i32) {
    %c0_i32 = arith.constant 0 : i32
    %c0_i32_0 = arith.constant 0 : i32
    %c0_i32_1 = arith.constant 0 : i32
    return %c0_i32, %c0_i32_0 : i32, i32
  }
  func.func @transform_3(%arg0: i32) -> (i32, i32) {
    %c0_i32 = arith.constant 0 : i32
    %c0_i32_0 = arith.constant 0 : i32
    return %arg0, %c0_i32 : i32, i32
  }
  func.func @transform_4(%arg0: i32) -> (i32, i32) {
    %add3A = arith.constant 4 : i32
    %add3A_0 = arith.addi %add3A, %arg0 : i32
    %c0_i32 = arith.constant 0 : i32
    %c0_i32_1 = arith.constant 0 : i32
    return %add3A_0, %c0_i32 : i32, i32
  }
  func.func @transform_5(%arg0: i32) -> (i32, i32) {
    %c0_i32 = arith.constant 0 : i32
    %c0_i32_0 = arith.constant 0 : i32
    return %arg0, %c0_i32 : i32, i32
  }
}

</mosaic_0001>

<sc_bundles>
// kernel: kernel.10.cloned.1.call-start
scs
__scs_entry_jumppad:
0x0: {  	(pc) =	sbr.rel $0x88, $3  }
0x1: {  	(tag) =	ssettag $0x0;
	lr =	simm.s32 $0x1  }
0x2: {  	[smem:$0x3F9A] =	sst lr;
	_ =	strace $0xD0000000  }
0x3: {  	_ = 	snop  }
0x4: {  	_ = 	snop  }
0x5: {  	_ = 	snop  }
0x6: {  	_ = 	snop  }
0x7: {  	_ = 	snop  }
__scs_overlays_trampoline_lowered:
0x8: {  	[smem:$0x3FA9] =	sst s0  }
0x9: {  	[smem:$0x3FAA] =	sst s1  }
0xa: {  	[smem:$0x3FAB] =	sst s2  }
0xb: {  	[smem:$0x3FAC] =	sst s3  }
0xc: {  	[smem:$0x3FAD] =	sst s4  }
0xd: {  	[smem:$0x3FAE] =	sst s5  }
0xe: {  	[smem:$0x3FAF] =	sst s6  }
0xf: {  	[smem:$0x3FB0] =	sst s7  }
0x10: {  	[smem:$0x3FB1] =	sst s8  }
0x11: {  	[smem:$0x3FB2] =	sst s9;
	s0 =	simm.s32 @!p0 $0x0  }
0x12: {  	s1 =	sld [smem:$0x3F98];
	s0 =	simm.s32 @p0 $0x1  }
0x13: {  	[smem:$0x3FB3] =	sst s0;
	s0 =	simm.s32 @!p1 $0x0  }
0x14: {  	s2 =	sld [smem:$0x3F97];
	s0 =	simm.s32 @p1 $0x1  }
0x15: {  	[smem:$0x3FB4] =	sst s0;
	s0 =	simm.s32 @!p2 $0x0  }
0x16: {  	s3 =	sld [smem:$0x3FDB];
	s0 =	simm.s32 @p2 $0x1  }
0x17: {  	s4 =	simm.s32 $0x1BF5;
	[smem:$0x3FB6] =	sst s0  }
0x18: {  	s0 =	sld [smem:$0x3F99];
	_ =	swait.ge [sflag:s4], $0x0  }
0x19: {  	s7 =	sld [smem:$0x3F9A]  }
0x1a: {  	s8 =	sadd.s32 $0xFFFFE003, lr  }
0x1b: {  	s9 =	sadd.s32 $0xFFFFFEF7, lr;
	s5 =	simm.s32 $0xFFFFFFFF;
	p2 =	slt.u32 s8, $0xFFFFF086  }
0x1c: {  	p1 =	slt.u32 s9, $0xF7A;
	s5 =	simm.s32 @!p2 $0x0  }
0x1d: {  	s5 =	simm.s32 @p1 $0x1;
	p0 =	seq.s32 s7, s2  }
0x1e: {  	s7 =	smul.u32 @!p0 $0xF7A, s2;
	p2 =	seq.s32 @!p0 s5, $0x0  }
0x1f: {  	s9 =	smul.u32 $0xF7A, s1;
	s8 =	simm.s32 @!p0 $0x1BF5;
	p2 =	por !p2, p0  }
0x20: {  	[sflag:s8] =	ssyncset.s32 @!p0 $0xFFFFF086;
	s6 =	sadd.s32 @!p0 s3, s7;
	s7 =	simm.s32 @!p0 $0x108  }
0x21: {  	s3 =	sadd.s32 s3, s9;
	s6 =	sadd.s32 @!p0 $0x88, s6;
	s7 =	simm.s32 @p2 $0x1082  }
0x22: {  	[simem:s7], [sflag:s8] =	dma.local @!p0 [hbm:s6], $0xF7A  }
0x23: {  	s9 =	sor.u32 $0xD0000000, s2;
	s6 =	simm.s32 $0x108;
	_ =	swait.ge @!p0 [sflag:s8], $0x0  }
0x24: {  	s3 =	sadd.s32 $0x88, s3;
	s6 =	simm.s32 @!p1 $0x1082;
	[sflag:s4] =	ssyncset.s32 $0xFFFFF086  }
0x25: {  	[simem:s6], [sflag:s4] =	dma.local [hbm:s3], $0xF7A  }
0x26: {  	[smem:$0x3F9A] =	sst s1;
	(tag) =	ssettag s2;
	_ =	strace s9  }
0x27: {  	s1 =	sld [smem:$0x3FAA]  }
0x28: {  	s2 =	sld [smem:$0x3FAB]  }
0x29: {  	s4 =	sld [smem:$0x3FAD]  }
0x2a: {  	p0 =	seq.s32 s5, $0x0;
	s5 =	sld [smem:$0x3FAE]  }
0x2b: {  	s6 =	sld [smem:$0x3FAF]  }
0x2c: {  	s7 =	sld [smem:$0x3FB0]  }
0x2d: {  	s3 =	simm.s32 $0x108;
	s8 =	sld [smem:$0x3FB1]  }
0x2e: {  	s3 =	simm.s32 @!p0 $0x1082;
	s9 =	sld [smem:$0x3FB2]  }
0x2f: {  	lr =	sadd.s32 s0, s3;
	s0 =	sld [smem:$0x3FA9]  }
0x30: {  	s3 =	sld [smem:$0x3FAC]  }
0x31: {  	[smem:$0x3FB5] =	sst s10  }
0x32: {  	s10 =	sld [smem:$0x3FB3];
	_ =	sdelay $0x3  }
0x33: {  	p0 =	seq.s32 s10, $0x1;
	s10 =	sld [smem:$0x3FB5];
	_ =	sdelay $0x3  }
0x34: {  	[smem:$0x3FB5] =	sst s10  }
0x35: {  	s10 =	sld [smem:$0x3FB4];
	_ =	sdelay $0x3  }
0x36: {  	p1 =	seq.s32 s10, $0x1;
	s10 =	sld [smem:$0x3FB5];
	_ =	sdelay $0x3  }
0x37: {  	[smem:$0x3FB5] =	sst s10  }
0x38: {  	s10 =	sld [smem:$0x3FB6]  }
0x39: {  	_ = 	snop;
	(pc) =	sbr.ind lr, $3  }
0x3a: {  	_ = 	snop  }
0x3b: {  	_ = 	snop  }
0x3c: {  	p2 =	seq.s32 s10, $0x1;
	s10 =	sld [smem:$0x3FB5]  }
0x3d: {  	_ =	shalt  }
0x3e: {  	_ =	shalt  }
0x3f: {  	_ =	shalt  }
0x40: {  	_ =	shalt  }
0x41: {  	_ =	shalt  }
0x42: {  	_ =	shalt  }
0x43: {  	_ =	shalt  }
0x44: {  	_ =	shalt  }
0x45: {  	_ =	shalt  }
0x46: {  	_ =	shalt  }
0x47: {  	_ =	shalt  }
0x48: {  	_ =	shalt  }
0x49: {  	_ =	shalt  }
0x4a: {  	_ =	shalt  }
0x4b: {  	_ =	shalt  }
0x4c: {  	_ =	shalt  }
0x4d: {  	_ =	shalt  }
0x4e: {  	_ =	shalt  }
0x4f: {  	_ =	shalt  }
0x50: {  	_ =	shalt  }
0x51: {  	_ =	shalt  }
0x52: {  	_ =	shalt  }
0x53: {  	_ =	shalt  }
0x54: {  	_ =	shalt  }
0x55: {  	_ =	shalt  }
0x56: {  	_ =	shalt  }
0x57: {  	_ =	shalt  }
0x58: {  	_ =	shalt  }
0x59: {  	_ =	shalt  }
0x5a: {  	_ =	shalt  }
0x5b: {  	_ =	shalt  }
0x5c: {  	_ =	shalt  }
0x5d: {  	_ =	shalt  }
0x5e: {  	_ =	shalt  }
0x5f: {  	_ =	shalt  }
0x60: {  	_ =	shalt  }
0x61: {  	_ =	shalt  }
0x62: {  	_ =	shalt  }
0x63: {  	_ =	shalt  }
0x64: {  	_ =	shalt  }
0x65: {  	_ =	shalt  }
0x66: {  	_ =	shalt  }
0x67: {  	_ =	shalt  }
0x68: {  	_ =	shalt  }
0x69: {  	_ =	shalt  }
0x6a: {  	_ =	shalt  }
0x6b: {  	_ =	shalt  }
0x6c: {  	_ =	shalt  }
0x6d: {  	_ =	shalt  }
0x6e: {  	_ =	shalt  }
0x6f: {  	_ =	shalt  }
0x70: {  	_ =	shalt  }
0x71: {  	_ =	shalt  }
0x72: {  	_ =	shalt  }
0x73: {  	_ =	shalt  }
0x74: {  	_ =	shalt  }
0x75: {  	_ =	shalt  }
0x76: {  	_ =	shalt  }
0x77: {  	_ =	shalt  }
0x78: {  	_ =	shalt  }
0x79: {  	_ =	shalt  }
0x7a: {  	_ =	shalt  }
0x7b: {  	_ =	shalt  }
0x7c: {  	_ =	shalt  }
0x7d: {  	_ =	shalt  }
0x7e: {  	_ =	shalt  }
0x7f: {  	_ =	shalt  }
0x80: {  	_ =	shalt  }
0x81: {  	_ =	shalt  }
0x82: {  	_ =	shalt  }
0x83: {  	_ =	shalt  }
0x84: {  	_ =	shalt  }
0x85: {  	_ =	shalt  }
0x86: {  	_ =	shalt  }
0x87: {  	_ =	shalt  }
.Lfunc_end0:
.L_simem_size_0:
called_computation.1_lowered:
.L_overlay_start_0:
0x88: {  	s2 =	sld [smem:$0x3FD9]  }
0x89: {  	s3 =	sld [smem:$0x3FFE];
	_ =	sdelay $0x1  }
0x8a: {  	s1 =	srdreg.scid  }
0x8b: {  	s0 =	sand.u32 $0x1, s1  }
0x8c: {  	s16 =	sshll.u32 s0, $0xA;
	s2 =	sadd.s32 s3, s2  }
0x8d: {  	s2 =	sadd.s32 s2, s16  }
0x8e: {  	[smem:$0x3FC1] =	sst s2  }
0x8f: {  	_ = 	snop  }
0x90: {  	(tm) =	ssettm $0x1  }
0x91: {  	s17 =	sld [smem:$0x3FFB];
	_ =	sdelay $0x3  }
0x92: {  	_ =	strace s17  }
0x93: {  	s2 =	sld [smem:$0x3FFC];
	_ =	sdelay $0x3  }
0x94: {  	_ =	strace s2  }
0x95: {  	s2 =	sld [smem:$0x3FFD];
	_ =	sdelay $0x3  }
0x96: {  	_ =	strace s2  }
0x97: {  	_ =	strace $0x8FFFFFFF  }
0x98: {  	s18 =	sld [smem:$0x3FDB];
	_ =	sdelay $0x1  }
0x99: {  	s19 =	simm.s32 $_scs_section_size  }
0x9a: {  	s4 =	simm.s32 $_size__tile_overlayer_lowered;
	s5 =	simm.s32 $_tile_overlayer_lowered  }
0x9b: {  	s22 =	simm.s32 $0x1BFF;
	s21 =	sshll.u32 s5, $0x1;
	s2 =	sadd.s32 s19, s18  }
0x9c: {  	s6 =	simm.s32 $0x0;
	s20 =	sshll.u32 s4, $0x1;
	s4 =	sadd.s32 s21, s2  }
0x9d: {  	[timem:s6], [sflag:s22] =	dma.local [hbm:s4], s20  }
0x9e: {  	_ =	swait.ge [sflag:s22], s20  }
0x9f: {  	s3 =	ssub.s32 $0x0, s20;
	[sflag:s22] =	ssyncset.done $0x0  }
0xa0: {  	[sflag:s22] =	ssyncadd.s32 s3;
	_ =	sdelay $0x1  }
0xa1: {  	s23 =	simm.s32 $0x1B8B  }
0xa2: {  	_ =	swait.ge [sflag:s23], $0x1  }
0xa3: {  	[sflag:s23] =	ssyncset.done $0x0  }
0xa4: {  	s25 =	simm.s32 $0x1B8E;
	s24 =	sld [smem:$0x3FFE];
	[sflag:s23] =	ssyncadd.s32 $0xFFFFFFFF  }
0xa5: {  	s26 =	simm.s32 $execute0_lowered;
	[smem:$0x3FD2] =	sst s25  }
0xa6: {  	s4 =	sshll.u32 s26, $0x1;
	_ =	strace $0x80000049;
	[dreg:$0x1] =	wrdreg $0xFFFFFFFF  }
0xa7: {  	s28 =	simm.s32 $_size_execute0_lowered;
	s2 =	sadd.s32 s2, s4;
	[dreg:$0x0] =	wrdreg $0x0  }
0xa8: {  	s4 =	sshll.u32 s28, $0x1;
	[dreg:$0x2] =	wrdreg s2  }
0xa9: {  	[dreg:$0x3] =	wrdreg s4  }
0xaa: {  	[dreg:$0x4] =	wrdreg $0xC0  }
0xab: {  	_ =	task [dreg:s6], $0x5FFFF  }
0xac: {  	[dreg:$0x1] =	wrdreg $0xFFFFFFFF  }
0xad: {  	[dreg:$0x0] =	wrdreg $0x60  }
0xae: {  	[dreg:$0x2] =	wrdreg s24  }
0xaf: {  	[dreg:$0x3] =	wrdreg $0x9  }
0xb0: {  	_ =	task.clear_ibuf [dreg:s6], $0x4FFFF;
	_ =	strace $0x90000049  }
0xb1: {  	s29 =	simm.s32 $0x9;
	_ =	strace $0x8000004B  }
0xb2: {  	_ =	swait.ge [sflag:s29], $0x1  }
0xb3: {  	[sflag:s29] =	ssyncadd.s32 $0xFFFFFFFF  }
0xb4: {  	_ =	strace $0x9000004B  }
0xb5: {  	_ =	sfence  }
0xb6: {  	s30 =	sld [smem:$0x0];
	_ =	sdelay $0x2  }
0xb7: {  	s31 =	sshll.u32 s1, $0xD;
	s1 =	sshrl.u32 s1, $0x2  }
0xb8: {  	s3 =	sand.u32 $0x4000, s31;
	s1 =	sadd.s32 s1, s30  }
0xb9: {  	s0 =	sor.u32 s3, s0;
	s1 =	sshll.u32 s1, $0x11  }
0xba: {  	s0 =	sor.u32 s1, s0  }
0xbb: {  	s0 =	sadd.s32 $0x8F2B, s0  }
0xbc: {  	[sflag:s0] =	ssyncadd.remote.s32 $0x1  }
0xbd: {  	_ =	sfence.sel $0xFFFF  }
0xbe: {  	[dreg:$0x0] =	wrdreg $0xFFFFFFFF;
	(pc) =	sbr.abs _section_cstart, $3  }
0xbf: {  	[dreg:$0x1] =	wrdreg $0xFFFFFFFF  }
0xc0: {  	_ =	task.clear_ibuf [dreg:s6], $0x2FFFF;
	_ =	strace $0x9FFFFFFF  }
0xc1: {  	(tm) =	ssettm $0x7FFFFFFF  }
tec
execute0_lowered:
.L_overlay_start_1:
0x0: {  	(tag) =	ssettag $0x1  }
0x1: {  	s0 =	rddreg [dreg:$0x0];
	s1 =	srdreg.scid  }
0x2: {  	s2 =	simm.s32 $0x0;
	s3 =	stileid.u32;
	s18 =	simm.s32 $0x1  }
0x3: {  	s20 =	simm.s32 $0x880;
	s21 =	simm.s32 $0x1080;
	s22 =	simm.s32 $0x1880  }
0x4: {  	s23 =	simm.s32 $0x2080;
	s28 =	simm.s32 $0x4080;
	s29 =	simm.s32 $0x4880  }
0x5: {  	s30 =	simm.s32 $0x5080;
	s31 =	simm.s32 $0x5880;
	s11 =	simm.s32 $0x7880  }
0x6: {  	s12 =	simm.s32 $0x8080;
	s13 =	simm.s32 $0x8880;
	s14 =	simm.s32 $0x9080  }
0x7: {  	s15 =	simm.s32 $0x9880;
	s16 =	simm.s32 $0xA080;
	s17 =	simm.s32 $0xA880  }
0x8: {  	s1 =	sand.u32 $0x1, s1;
	[smem:$0x7FF] =	sst s2;
	s3 =	sshll.u32 s3, $0x8  }
0x9: {  	s6 =	sadd.s32 $0x281800, s0;
	s8 =	sadd.s32 $0x1800, s0;
	s4 =	sshll.u32 s1, $0x7  }
0xa: {  	_ =	strace $0x8000004A;
	s1 =	ssub.s32 $0x2, s1;
	s5 =	sor.u32 s4, s3  }
0xb: {  	s3 =	sadd.s32 $0x281A00, s0;
	s7 =	sshrl.u32 s1, $0x1;
	s4 =	sshrl.u32 s5, $0x3  }
0xc: {  	s1 =	ssub.s32 s1, s7;
	s24 =	sshll.u32 s5, $0x7;
	s9 =	sor.u32 $0x40, s5  }
0xd: {  	s5 =	sadd.s32 $0x281C00, s0;
	s4 =	sadd.s32 s6, s4;
	s7 =	sadd.s32 s8, s24  }
0xe: {  	s10 =	sshrl.u32 s9, $0x3;
	s9 =	sshll.u32 s9, $0x7;
	[dreg:$0x2] =	wrdreg s4  }
0xf: {  	s24 =	simm.s32 $0x2880;
	s4 =	sadd.s32 $0x281B00, s0;
	[dreg:$0x3] =	wrdreg s7  }
0x10: {  	s25 =	sadd.s32 s6, s10;
	s6 =	sadd.s32 $0x281D00, s0;
	s26 =	sadd.s32 s8, s9  }
0x11: {  	v2 =	vlaneseq.u32;
	s7 =	smax.u32 s1, $0x1;
	s8 =	simm.s32 $0x2;
	s0 =	simm.s32 $0x80  }
0x12: {  	vm0 =	vmmov $0xffff;
	v1 =	vshrl.u32 v2, $0x3;
	s10 =	simm.s32 $0x7080;
	s9 =	simm.s32 $0xB080;
	[dreg:$0x4] =	wrdreg s25  }
0x13: {  	v0 =	vand.u32 $0x7, v2;
	v2 =	vor.u32 $0x8, v2;
	v1 =	vmul.u32 $0x8, v1;
	[dreg:$0x5] =	wrdreg s26;
	s25 =	simm.s32 $0x3080;
	s26 =	simm.s32 $0x3880  }
.LBB2_1:
0x14: {  	s19 =	rddreg [dreg:$0x2]  }
0x15: {  	[tilespmem:s2], [sflag:$0x2] =	stream.linear.gather [hbm4b:s19+s2], $0x40, $0x38;
	[tilespmem:$0x10080] =	vst v63  }
0x16: {  	_ =	swait.ge [sflag:s8], $0x40  }
0x17: {  	[sflag:s8] =	ssyncset.done $0x0  }
0x18: {  	[sflag:s8] =	ssyncadd.s32 $0xFFFFFFC0  }
0x19: {  	v3 =	vld [tilespmem:$0x0];
	_ =	sdelay $0x4  }
0x1a: {  	v4 =	vshll.u32 v3, $0x3  }
0x1b: {  	v3 =	vand.u32 $0x7, v3;
	v4 =	vand.u32 $0xFFFFFFC0, v4  }
0x1c: {  	v3 =	vor.u32 v3, v4  }
0x1d: {  	v4 =	vperm.xlane v3, v0;
	_ =	sdelay $0x1  }
0x1e: {  	v4 =	vadd.s32 v1, v4;
	_ =	sdelay $0x4  }
0x1f: {  	[tilespmem:s0], [sflag:$0x1] =	stream.indirect_vreg.gather [hbm4b:s3+s2], $0x80, v4, vm0, $0xb8;
	[tilespmem:$0x10080] =	vst v63  }
0x20: {  	v3 =	vperm.xlane v3, v2  }
0x21: {  	[tilespmem:s20], [sflag:$0x1] =	stream.indirect_vreg.gather [hbm4b:s4+s2], $0x80, v4, vm0, $0xb8;
	[tilespmem:$0x10080] =	vst v63  }
0x22: {  	v3 =	vadd.s32 v1, v3  }
0x23: {  	[tilespmem:s21], [sflag:$0x1] =	stream.indirect_vreg.gather [hbm4b:s5+s2], $0x80, v4, vm0, $0xb8;
	[tilespmem:$0x10080] =	vst v63  }
0x24: {  	_ = 	snop  }
0x25: {  	[tilespmem:s22], [sflag:$0x1] =	stream.indirect_vreg.gather [hbm4b:s6+s2], $0x80, v4, vm0, $0xb8;
	[tilespmem:$0x10080] =	vst v63  }
0x26: {  	_ = 	snop  }
0x27: {  	[tilespmem:s23], [sflag:$0x1] =	stream.indirect_vreg.gather [hbm4b:s3+s2], $0x80, v3, vm0, $0xb8;
	[tilespmem:$0x10080] =	vst v63  }
0x28: {  	_ = 	snop  }
0x29: {  	[tilespmem:s24], [sflag:$0x1] =	stream.indirect_vreg.gather [hbm4b:s4+s2], $0x80, v3, vm0, $0xb8;
	[tilespmem:$0x10080] =	vst v63  }
0x2a: {  	_ = 	snop  }
0x2b: {  	[tilespmem:s25], [sflag:$0x1] =	stream.indirect_vreg.gather [hbm4b:s5+s2], $0x80, v3, vm0, $0xb8;
	[tilespmem:$0x10080] =	vst v63  }
0x2c: {  	_ = 	snop  }
0x2d: {  	[tilespmem:s26], [sflag:$0x1] =	stream.indirect_vreg.gather [hbm4b:s6+s2], $0x80, v3, vm0, $0xb8;
	[tilespmem:$0x10080] =	vst v63  }
0x2e: {  	v3 =	vld [tilespmem:$0x10];
	_ =	sdelay $0x4  }
0x2f: {  	v57 =	vshll.u32 v3, $0x3  }
0x30: {  	v3 =	vand.u32 $0x7, v3;
	v4 =	vand.u32 $0xFFFFFFC0, v57  }
0x31: {  	v3 =	vor.u32 v3, v4  }
0x32: {  	v4 =	vperm.xlane v3, v0;
	_ =	sdelay $0x1  }
0x33: {  	v4 =	vadd.s32 v1, v4;
	_ =	sdelay $0x4  }
0x34: {  	[tilespmem:s28], [sflag:$0x1] =	stream.indirect_vreg.gather [hbm4b:s3+s2], $0x80, v4, vm0, $0xb8;
	[tilespmem:$0x10080] =	vst v63  }
0x35: {  	v3 =	vperm.xlane v3, v2  }
0x36: {  	[tilespmem:s29], [sflag:$0x1] =	stream.indirect_vreg.gather [hbm4b:s4+s2], $0x80, v4, vm0, $0xb8;
	[tilespmem:$0x10080] =	vst v63  }
0x37: {  	v3 =	vadd.s32 v1, v3  }
0x38: {  	[tilespmem:s30], [sflag:$0x1] =	stream.indirect_vreg.gather [hbm4b:s5+s2], $0x80, v4, vm0, $0xb8;
	[tilespmem:$0x10080] =	vst v63  }
0x39: {  	_ = 	snop  }
0x3a: {  	[tilespmem:s31], [sflag:$0x1] =	stream.indirect_vreg.gather [hbm4b:s6+s2], $0x80, v4, vm0, $0xb8;
	[tilespmem:$0x10080] =	vst v63  }
0x3b: {  	s1 =	simm.s32 $0x6080  }
0x3c: {  	[tilespmem:s1], [sflag:$0x1] =	stream.indirect_vreg.gather [hbm4b:s3+s2], $0x80, v3, vm0, $0xb8;
	[tilespmem:$0x10080] =	vst v63  }
0x3d: {  	s1 =	simm.s32 $0x6880  }
0x3e: {  	[tilespmem:s1], [sflag:$0x1] =	stream.indirect_vreg.gather [hbm4b:s4+s2], $0x80, v3, vm0, $0xb8;
	[tilespmem:$0x10080] =	vst v63  }
0x3f: {  	_ = 	snop  }
0x40: {  	[tilespmem:s10], [sflag:$0x1] =	stream.indirect_vreg.gather [hbm4b:s5+s2], $0x80, v3, vm0, $0xb8;
	[tilespmem:$0x10080] =	vst v63  }
0x41: {  	_ = 	snop  }
0x42: {  	[tilespmem:s11], [sflag:$0x1] =	stream.indirect_vreg.gather [hbm4b:s6+s2], $0x80, v3, vm0, $0xb8;
	[tilespmem:$0x10080] =	vst v63  }
0x43: {  	v3 =	vld [tilespmem:$0x20];
	_ =	sdelay $0x4  }
0x44: {  	v58 =	vshll.u32 v3, $0x3  }
0x45: {  	v3 =	vand.u32 $0x7, v3;
	v4 =	vand.u32 $0xFFFFFFC0, v58  }
0x46: {  	v3 =	vor.u32 v3, v4  }
0x47: {  	v4 =	vperm.xlane v3, v0;
	_ =	sdelay $0x1  }
0x48: {  	v4 =	vadd.s32 v1, v4;
	_ =	sdelay $0x4  }
0x49: {  	[tilespmem:s12], [sflag:$0x1] =	stream.indirect_vreg.gather [hbm4b:s3+s2], $0x80, v4, vm0, $0xb8;
	[tilespmem:$0x10080] =	vst v63  }
0x4a: {  	v3 =	vperm.xlane v3, v2  }
0x4b: {  	[tilespmem:s13], [sflag:$0x1] =	stream.indirect_vreg.gather [hbm4b:s4+s2], $0x80, v4, vm0, $0xb8;
	[tilespmem:$0x10080] =	vst v63  }
0x4c: {  	v3 =	vadd.s32 v1, v3  }
0x4d: {  	[tilespmem:s14], [sflag:$0x1] =	stream.indirect_vreg.gather [hbm4b:s5+s2], $0x80, v4, vm0, $0xb8;
	[tilespmem:$0x10080] =	vst v63  }
0x4e: {  	_ = 	snop  }
0x4f: {  	[tilespmem:s15], [sflag:$0x1] =	stream.indirect_vreg.gather [hbm4b:s6+s2], $0x80, v4, vm0, $0xb8;
	[tilespmem:$0x10080] =	vst v63  }
0x50: {  	_ = 	snop  }
0x51: {  	[tilespmem:s16], [sflag:$0x1] =	stream.indirect_vreg.gather [hbm4b:s3+s2], $0x80, v3, vm0, $0xb8;
	[tilespmem:$0x10080] =	vst v63  }
0x52: {  	_ = 	snop  }
0x53: {  	[tilespmem:s17], [sflag:$0x1] =	stream.indirect_vreg.gather [hbm4b:s4+s2], $0x80, v3, vm0, $0xb8;
	[tilespmem:$0x10080] =	vst v63  }
0x54: {  	_ = 	snop  }
0x55: {  	[tilespmem:s9], [sflag:$0x1] =	stream.indirect_vreg.gather [hbm4b:s5+s2], $0x80, v3, vm0, $0xb8;
	[tilespmem:$0x10080] =	vst v63  }
0x56: {  	s19 =	simm.s32 $0xB880  }
0x57: {  	[tilespmem:s19], [sflag:$0x1] =	stream.indirect_vreg.gather [hbm4b:s6+s2], $0x80, v3, vm0, $0xb8;
	[tilespmem:$0x10080] =	vst v63  }
0x58: {  	v3 =	vld [tilespmem:$0x30];
	_ =	sdelay $0x4  }
0x59: {  	v59 =	vshll.u32 v3, $0x3  }
0x5a: {  	v3 =	vand.u32 $0x7, v3;
	v4 =	vand.u32 $0xFFFFFFC0, v59  }
0x5b: {  	v3 =	vor.u32 v3, v4  }
0x5c: {  	v4 =	vperm.xlane v3, v0;
	_ =	sdelay $0x1  }
0x5d: {  	v4 =	vadd.s32 v1, v4;
	_ =	sdelay $0x3  }
0x5e: {  	s19 =	simm.s32 $0xC080  }
0x5f: {  	[tilespmem:s19], [sflag:$0x1] =	stream.indirect_vreg.gather [hbm4b:s3+s2], $0x80, v4, vm0, $0xb8;
	[tilespmem:$0x10080] =	vst v63  }
0x60: {  	v3 =	vperm.xlane v3, v2;
	s19 =	simm.s32 $0xC880  }
0x61: {  	[tilespmem:s19], [sflag:$0x1] =	stream.indirect_vreg.gather [hbm4b:s4+s2], $0x80, v4, vm0, $0xb8;
	[tilespmem:$0x10080] =	vst v63  }
0x62: {  	v3 =	vadd.s32 v1, v3;
	s19 =	simm.s32 $0xD080  }
0x63: {  	[tilespmem:s19], [sflag:$0x1] =	stream.indirect_vreg.gather [hbm4b:s5+s2], $0x80, v4, vm0, $0xb8;
	[tilespmem:$0x10080] =	vst v63  }
0x64: {  	s19 =	simm.s32 $0xD880  }
0x65: {  	[tilespmem:s19], [sflag:$0x1] =	stream.indirect_vreg.gather [hbm4b:s6+s2], $0x80, v4, vm0, $0xb8;
	[tilespmem:$0x10080] =	vst v63  }
0x66: {  	s19 =	simm.s32 $0xE080  }
0x67: {  	[tilespmem:s19], [sflag:$0x1] =	stream.indirect_vreg.gather [hbm4b:s3+s2], $0x80, v3, vm0, $0xb8;
	[tilespmem:$0x10080] =	vst v63  }
0x68: {  	s19 =	simm.s32 $0xE880  }
0x69: {  	[tilespmem:s19], [sflag:$0x1] =	stream.indirect_vreg.gather [hbm4b:s4+s2], $0x80, v3, vm0, $0xb8;
	[tilespmem:$0x10080] =	vst v63  }
0x6a: {  	s19 =	simm.s32 $0xF080  }
0x6b: {  	[tilespmem:s19], [sflag:$0x1] =	stream.indirect_vreg.gather [hbm4b:s5+s2], $0x80, v3, vm0, $0xb8;
	[tilespmem:$0x10080] =	vst v63  }
0x6c: {  	s19 =	simm.s32 $0xF880  }
0x6d: {  	[tilespmem:s19], [sflag:$0x1] =	stream.indirect_vreg.gather [hbm4b:s6+s2], $0x80, v3, vm0, $0xb8;
	[tilespmem:$0x10080] =	vst v63  }
0x6e: {  	_ =	swait.ge [sflag:s18], $0x10000  }
0x6f: {  	[sflag:s18] =	ssyncset.done $0x0  }
0x70: {  	s19 =	rddreg [dreg:$0x3];
	[sflag:s18] =	ssyncadd.s32 $0xFFFF0000  }
0x71: {  	[hbm4b:s19+s2] =	stream.linear.scatter [tilespmem:s0], [sflag:$0x2], $0x10000, $0x38;
	[tilespmem:$0x10080] =	vst v63  }
0x72: {  	_ =	swait.ge [sflag:s8], $0x10000  }
0x73: {  	[sflag:s8] =	ssyncset.done $0x0  }
0x74: {  	s19 =	rddreg [dreg:$0x4];
	[sflag:s8] =	ssyncadd.s32 $0xFFFF0000  }
0x75: {  	[tilespmem:s2], [sflag:$0x2] =	stream.linear.gather [hbm4b:s19+s2], $0x40, $0x38;
	[tilespmem:$0x10080] =	vst v63  }
0x76: {  	_ =	swait.ge [sflag:s8], $0x40  }
0x77: {  	[sflag:s8] =	ssyncset.done $0x0  }
0x78: {  	[sflag:s8] =	ssyncadd.s32 $0xFFFFFFC0  }
0x79: {  	v3 =	vld [tilespmem:$0x0];
	_ =	sdelay $0x4  }
0x7a: {  	v60 =	vshll.u32 v3, $0x3  }
0x7b: {  	v3 =	vand.u32 $0x7, v3;
	v4 =	vand.u32 $0xFFFFFFC0, v60  }
0x7c: {  	v3 =	vor.u32 v3, v4  }
0x7d: {  	v4 =	vperm.xlane v3, v0;
	_ =	sdelay $0x1  }
0x7e: {  	v4 =	vadd.s32 v1, v4;
	_ =	sdelay $0x4  }
0x7f: {  	[tilespmem:s0], [sflag:$0x1] =	stream.indirect_vreg.gather [hbm4b:s3+s2], $0x80, v4, vm0, $0xb8;
	[tilespmem:$0x10080] =	vst v63  }
0x80: {  	v3 =	vperm.xlane v3, v2  }
0x81: {  	[tilespmem:s20], [sflag:$0x1] =	stream.indirect_vreg.gather [hbm4b:s4+s2], $0x80, v4, vm0, $0xb8;
	[tilespmem:$0x10080] =	vst v63  }
0x82: {  	v3 =	vadd.s32 v1, v3  }
0x83: {  	[tilespmem:s21], [sflag:$0x1] =	stream.indirect_vreg.gather [hbm4b:s5+s2], $0x80, v4, vm0, $0xb8;
	[tilespmem:$0x10080] =	vst v63  }
0x84: {  	_ = 	snop  }
0x85: {  	[tilespmem:s22], [sflag:$0x1] =	stream.indirect_vreg.gather [hbm4b:s6+s2], $0x80, v4, vm0, $0xb8;
	[tilespmem:$0x10080] =	vst v63  }
0x86: {  	_ = 	snop  }
0x87: {  	[tilespmem:s23], [sflag:$0x1] =	stream.indirect_vreg.gather [hbm4b:s3+s2], $0x80, v3, vm0, $0xb8;
	[tilespmem:$0x10080] =	vst v63  }
0x88: {  	_ = 	snop  }
0x89: {  	[tilespmem:s24], [sflag:$0x1] =	stream.indirect_vreg.gather [hbm4b:s4+s2], $0x80, v3, vm0, $0xb8;
	[tilespmem:$0x10080] =	vst v63  }
0x8a: {  	_ = 	snop  }
0x8b: {  	[tilespmem:s25], [sflag:$0x1] =	stream.indirect_vreg.gather [hbm4b:s5+s2], $0x80, v3, vm0, $0xb8;
	[tilespmem:$0x10080] =	vst v63  }
0x8c: {  	_ = 	snop  }
0x8d: {  	[tilespmem:s26], [sflag:$0x1] =	stream.indirect_vreg.gather [hbm4b:s6+s2], $0x80, v3, vm0, $0xb8;
	[tilespmem:$0x10080] =	vst v63  }
0x8e: {  	v3 =	vld [tilespmem:$0x10];
	_ =	sdelay $0x4  }
0x8f: {  	v61 =	vshll.u32 v3, $0x3  }
0x90: {  	v3 =	vand.u32 $0x7, v3;
	v4 =	vand.u32 $0xFFFFFFC0, v61  }
0x91: {  	v3 =	vor.u32 v3, v4  }
0x92: {  	v4 =	vperm.xlane v3, v0;
	_ =	sdelay $0x1  }
0x93: {  	v4 =	vadd.s32 v1, v4;
	_ =	sdelay $0x4  }
0x94: {  	[tilespmem:s28], [sflag:$0x1] =	stream.indirect_vreg.gather [hbm4b:s3+s2], $0x80, v4, vm0, $0xb8;
	[tilespmem:$0x10080] =	vst v63  }
0x95: {  	v3 =	vperm.xlane v3, v2  }
0x96: {  	[tilespmem:s29], [sflag:$0x1] =	stream.indirect_vreg.gather [hbm4b:s4+s2], $0x80, v4, vm0, $0xb8;
	[tilespmem:$0x10080] =	vst v63  }
0x97: {  	v3 =	vadd.s32 v1, v3  }
0x98: {  	[tilespmem:s30], [sflag:$0x1] =	stream.indirect_vreg.gather [hbm4b:s5+s2], $0x80, v4, vm0, $0xb8;
	[tilespmem:$0x10080] =	vst v63  }
0x99: {  	_ = 	snop  }
0x9a: {  	[tilespmem:s31], [sflag:$0x1] =	stream.indirect_vreg.gather [hbm4b:s6+s2], $0x80, v4, vm0, $0xb8;
	[tilespmem:$0x10080] =	vst v63  }
0x9b: {  	s19 =	simm.s32 $0x6080  }
0x9c: {  	[tilespmem:s19], [sflag:$0x1] =	stream.indirect_vreg.gather [hbm4b:s3+s2], $0x80, v3, vm0, $0xb8;
	[tilespmem:$0x10080] =	vst v63  }
0x9d: {  	_ = 	snop  }
0x9e: {  	[tilespmem:s1], [sflag:$0x1] =	stream.indirect_vreg.gather [hbm4b:s4+s2], $0x80, v3, vm0, $0xb8;
	[tilespmem:$0x10080] =	vst v63  }
0x9f: {  	_ = 	snop  }
0xa0: {  	[tilespmem:s10], [sflag:$0x1] =	stream.indirect_vreg.gather [hbm4b:s5+s2], $0x80, v3, vm0, $0xb8;
	[tilespmem:$0x10080] =	vst v63  }
0xa1: {  	_ = 	snop  }
0xa2: {  	[tilespmem:s11], [sflag:$0x1] =	stream.indirect_vreg.gather [hbm4b:s6+s2], $0x80, v3, vm0, $0xb8;
	[tilespmem:$0x10080] =	vst v63  }
0xa3: {  	v3 =	vld [tilespmem:$0x20];
	_ =	sdelay $0x4  }
0xa4: {  	v62 =	vshll.u32 v3, $0x3  }
0xa5: {  	v3 =	vand.u32 $0x7, v3;
	v4 =	vand.u32 $0xFFFFFFC0, v62  }
0xa6: {  	v3 =	vor.u32 v3, v4  }
0xa7: {  	v4 =	vperm.xlane v3, v0;
	_ =	sdelay $0x1  }
0xa8: {  	v4 =	vadd.s32 v1, v4;
	_ =	sdelay $0x4  }
0xa9: {  	[tilespmem:s12], [sflag:$0x1] =	stream.indirect_vreg.gather [hbm4b:s3+s2], $0x80, v4, vm0, $0xb8;
	[tilespmem:$0x10080] =	vst v63  }
0xaa: {  	v3 =	vperm.xlane v3, v2  }
0xab: {  	[tilespmem:s13], [sflag:$0x1] =	stream.indirect_vreg.gather [hbm4b:s4+s2], $0x80, v4, vm0, $0xb8;
	[tilespmem:$0x10080] =	vst v63  }
0xac: {  	v3 =	vadd.s32 v1, v3  }
0xad: {  	[tilespmem:s14], [sflag:$0x1] =	stream.indirect_vreg.gather [hbm4b:s5+s2], $0x80, v4, vm0, $0xb8;
	[tilespmem:$0x10080] =	vst v63  }
0xae: {  	_ = 	snop  }
0xaf: {  	[tilespmem:s15], [sflag:$0x1] =	stream.indirect_vreg.gather [hbm4b:s6+s2], $0x80, v4, vm0, $0xb8;
	[tilespmem:$0x10080] =	vst v63  }
0xb0: {  	_ = 	snop  }
0xb1: {  	[tilespmem:s16], [sflag:$0x1] =	stream.indirect_vreg.gather [hbm4b:s3+s2], $0x80, v3, vm0, $0xb8;
	[tilespmem:$0x10080] =	vst v63  }
0xb2: {  	_ = 	snop  }
0xb3: {  	[tilespmem:s17], [sflag:$0x1] =	stream.indirect_vreg.gather [hbm4b:s4+s2], $0x80, v3, vm0, $0xb8;
	[tilespmem:$0x10080] =	vst v63  }
0xb4: {  	_ = 	snop  }
0xb5: {  	[tilespmem:s9], [sflag:$0x1] =	stream.indirect_vreg.gather [hbm4b:s5+s2], $0x80, v3, vm0, $0xb8;
	[tilespmem:$0x10080] =	vst v63  }
0xb6: {  	s19 =	simm.s32 $0xB880  }
0xb7: {  	[tilespmem:s19], [sflag:$0x1] =	stream.indirect_vreg.gather [hbm4b:s6+s2], $0x80, v3, vm0, $0xb8;
	[tilespmem:$0x10080] =	vst v63  }
0xb8: {  	v3 =	vld [tilespmem:$0x30];
	_ =	sdelay $0x4  }
0xb9: {  	v63 =	vshll.u32 v3, $0x3  }
0xba: {  	v3 =	vand.u32 $0x7, v3;
	v4 =	vand.u32 $0xFFFFFFC0, v63  }
0xbb: {  	v3 =	vor.u32 v3, v4  }
0xbc: {  	v4 =	vperm.xlane v3, v0;
	_ =	sdelay $0x1  }
0xbd: {  	v4 =	vadd.s32 v1, v4;
	_ =	sdelay $0x3  }
0xbe: {  	s19 =	simm.s32 $0xC080  }
0xbf: {  	[tilespmem:s19], [sflag:$0x1] =	stream.indirect_vreg.gather [hbm4b:s3+s2], $0x80, v4, vm0, $0xb8;
	[tilespmem:$0x10080] =	vst v63  }
0xc0: {  	v3 =	vperm.xlane v3, v2;
	s19 =	simm.s32 $0xC880  }
0xc1: {  	[tilespmem:s19], [sflag:$0x1] =	stream.indirect_vreg.gather [hbm4b:s4+s2], $0x80, v4, vm0, $0xb8;
	[tilespmem:$0x10080] =	vst v63  }
0xc2: {  	v3 =	vadd.s32 v1, v3;
	s19 =	simm.s32 $0xD080  }
0xc3: {  	[tilespmem:s19], [sflag:$0x1] =	stream.indirect_vreg.gather [hbm4b:s5+s2], $0x80, v4, vm0, $0xb8;
	[tilespmem:$0x10080] =	vst v63  }
0xc4: {  	s19 =	simm.s32 $0xD880  }
0xc5: {  	[tilespmem:s19], [sflag:$0x1] =	stream.indirect_vreg.gather [hbm4b:s6+s2], $0x80, v4, vm0, $0xb8;
	[tilespmem:$0x10080] =	vst v63  }
0xc6: {  	s19 =	simm.s32 $0xE080  }
0xc7: {  	[tilespmem:s19], [sflag:$0x1] =	stream.indirect_vreg.gather [hbm4b:s3+s2], $0x80, v3, vm0, $0xb8;
	[tilespmem:$0x10080] =	vst v63  }
0xc8: {  	s19 =	simm.s32 $0xE880  }
0xc9: {  	[tilespmem:s19], [sflag:$0x1] =	stream.indirect_vreg.gather [hbm4b:s4+s2], $0x80, v3, vm0, $0xb8;
	[tilespmem:$0x10080] =	vst v63  }
0xca: {  	s19 =	simm.s32 $0xF080  }
0xcb: {  	[tilespmem:s19], [sflag:$0x1] =	stream.indirect_vreg.gather [hbm4b:s5+s2], $0x80, v3, vm0, $0xb8;
	[tilespmem:$0x10080] =	vst v63  }
0xcc: {  	s19 =	simm.s32 $0xF880  }
0xcd: {  	[tilespmem:s19], [sflag:$0x1] =	stream.indirect_vreg.gather [hbm4b:s6+s2], $0x80, v3, vm0, $0xb8;
	[tilespmem:$0x10080] =	vst v63  }
0xce: {  	_ =	swait.ge [sflag:s18], $0x10000  }
0xcf: {  	p0 =	sne.s32 s7, $0x1;
	[sflag:s18] =	ssyncset.done $0x0  }
.Ltmp0:
0xd0: {  	s1 =	rddreg [dreg:$0x5];
	[sflag:s18] =	ssyncadd.s32 $0xFFFF0000;
	(pc) =	sbr.rel @p0 .LBB2_1-.Ltmp0, $4  }
0xd1: {  	[hbm4b:s1+s2] =	stream.linear.scatter [tilespmem:s0], [sflag:$0x2], $0x10000, $0x38;
	[tilespmem:$0x10080] =	vst v63  }
0xd2: {  	_ =	swait.ge [sflag:s8], $0x10000  }
0xd3: {  	[sflag:s8] =	ssyncset.done $0x0  }
0xd4: {  	s7 =	sadd.s32 $0xFFFFFFFF, s7;
	[sflag:s8] =	ssyncadd.s32 $0xFFFF0000  }
0xd5: {  	_ =	sfence.sel $0x180000  }
0xd6: {  	[bflag:$0x0] =	sbarrier.arrive $0xFFFF  }
0xd7: {  	_ =	strace $0x9000004A  }
0xd8: {  	s0 =	stileid.u32;
	[bflag:$0x2] =	sbarrier.arrive $0xFFFF  }
0xd9: {  	p0 =	sne.s32 s0, $0x0;
	s0 =	rddreg [dreg:$0x1]  }
0xda: {  	s0 =	sadd.s32 @!p0 $0x100000, s0  }
0xdb: {  	[sflag:s0] =	ssyncadd.tile.s32 @!p0 $0x1;
	_ =	shalt  }
.Lfunc_end2:
_tile_overlayer_lowered:
.L_overlay_start_2:
0xdc: {  	(tag) =	ssettag $0x2  }
0xdd: {  	s0 =	rddreg [dreg:$0x0];
	s2 =	stileid.u32  }
0xde: {  	s1 =	rddreg [dreg:$0x1];
	p0 =	sne.s32 s2, $0x0  }
0xdf: {  	s3 =	rddreg [dreg:$0x2];
	[bflag:$0x3] =	sbarrier.arrive $0xFFFF;
	s2 =	simm.s32 @!p0 $0x1C02  }
0xe0: {  	[timem:s3], [sflag:s2] =	dma.local @!p0 [hbm:s0], s1  }
0xe1: {  	s0 =	simm.s32 @!p0 $0x2  }
0xe2: {  	_ =	swait.ge @!p0 [sflag:s0], s1  }
0xe3: {  	s1 =	ssub.s32 @!p0 $0x0, s1;
	[sflag:s0] =	ssyncset.done @!p0 $0x0  }
0xe4: {  	[sflag:s0] =	ssyncadd.s32 @!p0 s1  }
0xe5: {  	[bflag:$0x3] =	sbarrier.arrive $0xFFFF  }
0xe6: {  	_ =	shalt  }

// kernel: kernel.7.cloned.1.call-start
scs
__scs_entry_jumppad:
0x0: {  	(pc) =	sbr.rel $0x88, $3  }
0x1: {  	(tag) =	ssettag $0x0;
	lr =	simm.s32 $0x1  }
0x2: {  	[smem:$0x3F9A] =	sst lr;
	_ =	strace $0xD0000000  }
0x3: {  	_ = 	snop  }
0x4: {  	_ = 	snop  }
0x5: {  	_ = 	snop  }
0x6: {  	_ = 	snop  }
0x7: {  	_ = 	snop  }
__scs_overlays_trampoline_lowered:
0x8: {  	[smem:$0x3FA9] =	sst s0  }
0x9: {  	[smem:$0x3FAA] =	sst s1  }
0xa: {  	[smem:$0x3FAB] =	sst s2  }
0xb: {  	[smem:$0x3FAC] =	sst s3  }
0xc: {  	[smem:$0x3FAD] =	sst s4  }
0xd: {  	[smem:$0x3FAE] =	sst s5  }
0xe: {  	[smem:$0x3FAF] =	sst s6  }
0xf: {  	[smem:$0x3FB0] =	sst s7  }
0x10: {  	[smem:$0x3FB1] =	sst s8  }
0x11: {  	[smem:$0x3FB2] =	sst s9;
	s0 =	simm.s32 @!p0 $0x0  }
0x12: {  	s1 =	sld [smem:$0x3F98];
	s0 =	simm.s32 @p0 $0x1  }
0x13: {  	[smem:$0x3FB3] =	sst s0;
	s0 =	simm.s32 @!p1 $0x0  }
0x14: {  	s2 =	sld [smem:$0x3F97];
	s0 =	simm.s32 @p1 $0x1  }
0x15: {  	[smem:$0x3FB4] =	sst s0;
	s0 =	simm.s32 @!p2 $0x0  }
0x16: {  	s3 =	sld [smem:$0x3FDB];
	s0 =	simm.s32 @p2 $0x1  }
0x17: {  	s4 =	simm.s32 $0x1BF5;
	[smem:$0x3FB6] =	sst s0  }
0x18: {  	s0 =	sld [smem:$0x3F99];
	_ =	swait.ge [sflag:s4], $0x0  }
0x19: {  	s7 =	sld [smem:$0x3F9A]  }
0x1a: {  	s8 =	sadd.s32 $0xFFFFE003, lr  }
0x1b: {  	s9 =	sadd.s32 $0xFFFFFEF7, lr;
	s5 =	simm.s32 $0xFFFFFFFF;
	p2 =	slt.u32 s8, $0xFFFFF086  }
0x1c: {  	p1 =	slt.u32 s9, $0xF7A;
	s5 =	simm.s32 @!p2 $0x0  }
0x1d: {  	s5 =	simm.s32 @p1 $0x1;
	p0 =	seq.s32 s7, s2  }
0x1e: {  	s7 =	smul.u32 @!p0 $0xF7A, s2;
	p2 =	seq.s32 @!p0 s5, $0x0  }
0x1f: {  	s9 =	smul.u32 $0xF7A, s1;
	s8 =	simm.s32 @!p0 $0x1BF5;
	p2 =	por !p2, p0  }
0x20: {  	[sflag:s8] =	ssyncset.s32 @!p0 $0xFFFFF086;
	s6 =	sadd.s32 @!p0 s3, s7;
	s7 =	simm.s32 @!p0 $0x108  }
0x21: {  	s3 =	sadd.s32 s3, s9;
	s6 =	sadd.s32 @!p0 $0x88, s6;
	s7 =	simm.s32 @p2 $0x1082  }
0x22: {  	[simem:s7], [sflag:s8] =	dma.local @!p0 [hbm:s6], $0xF7A  }
0x23: {  	s9 =	sor.u32 $0xD0000000, s2;
	s6 =	simm.s32 $0x108;
	_ =	swait.ge @!p0 [sflag:s8], $0x0  }
0x24: {  	s3 =	sadd.s32 $0x88, s3;
	s6 =	simm.s32 @!p1 $0x1082;
	[sflag:s4] =	ssyncset.s32 $0xFFFFF086  }
0x25: {  	[simem:s6], [sflag:s4] =	dma.local [hbm:s3], $0xF7A  }
0x26: {  	[smem:$0x3F9A] =	sst s1;
	(tag) =	ssettag s2;
	_ =	strace s9  }
0x27: {  	s1 =	sld [smem:$0x3FAA]  }
0x28: {  	s2 =	sld [smem:$0x3FAB]  }
0x29: {  	s4 =	sld [smem:$0x3FAD]  }
0x2a: {  	p0 =	seq.s32 s5, $0x0;
	s5 =	sld [smem:$0x3FAE]  }
0x2b: {  	s6 =	sld [smem:$0x3FAF]  }
0x2c: {  	s7 =	sld [smem:$0x3FB0]  }
0x2d: {  	s3 =	simm.s32 $0x108;
	s8 =	sld [smem:$0x3FB1]  }
0x2e: {  	s3 =	simm.s32 @!p0 $0x1082;
	s9 =	sld [smem:$0x3FB2]  }
0x2f: {  	lr =	sadd.s32 s0, s3;
	s0 =	sld [smem:$0x3FA9]  }
0x30: {  	s3 =	sld [smem:$0x3FAC]  }
0x31: {  	[smem:$0x3FB5] =	sst s10  }
0x32: {  	s10 =	sld [smem:$0x3FB3];
	_ =	sdelay $0x3  }
0x33: {  	p0 =	seq.s32 s10, $0x1;
	s10 =	sld [smem:$0x3FB5];
	_ =	sdelay $0x3  }
0x34: {  	[smem:$0x3FB5] =	sst s10  }
0x35: {  	s10 =	sld [smem:$0x3FB4];
	_ =	sdelay $0x3  }
0x36: {  	p1 =	seq.s32 s10, $0x1;
	s10 =	sld [smem:$0x3FB5];
	_ =	sdelay $0x3  }
0x37: {  	[smem:$0x3FB5] =	sst s10  }
0x38: {  	s10 =	sld [smem:$0x3FB6]  }
0x39: {  	_ = 	snop;
	(pc) =	sbr.ind lr, $3  }
0x3a: {  	_ = 	snop  }
0x3b: {  	_ = 	snop  }
0x3c: {  	p2 =	seq.s32 s10, $0x1;
	s10 =	sld [smem:$0x3FB5]  }
0x3d: {  	_ =	shalt  }
0x3e: {  	_ =	shalt  }
0x3f: {  	_ =	shalt  }
0x40: {  	_ =	shalt  }
0x41: {  	_ =	shalt  }
0x42: {  	_ =	shalt  }
0x43: {  	_ =	shalt  }
0x44: {  	_ =	shalt  }
0x45: {  	_ =	shalt  }
0x46: {  	_ =	shalt  }
0x47: {  	_ =	shalt  }
0x48: {  	_ =	shalt  }
0x49: {  	_ =	shalt  }
0x4a: {  	_ =	shalt  }
0x4b: {  	_ =	shalt  }
0x4c: {  	_ =	shalt  }
0x4d: {  	_ =	shalt  }
0x4e: {  	_ =	shalt  }
0x4f: {  	_ =	shalt  }
0x50: {  	_ =	shalt  }
0x51: {  	_ =	shalt  }
0x52: {  	_ =	shalt  }
0x53: {  	_ =	shalt  }
0x54: {  	_ =	shalt  }
0x55: {  	_ =	shalt  }
0x56: {  	_ =	shalt  }
0x57: {  	_ =	shalt  }
0x58: {  	_ =	shalt  }
0x59: {  	_ =	shalt  }
0x5a: {  	_ =	shalt  }
0x5b: {  	_ =	shalt  }
0x5c: {  	_ =	shalt  }
0x5d: {  	_ =	shalt  }
0x5e: {  	_ =	shalt  }
0x5f: {  	_ =	shalt  }
0x60: {  	_ =	shalt  }
0x61: {  	_ =	shalt  }
0x62: {  	_ =	shalt  }
0x63: {  	_ =	shalt  }
0x64: {  	_ =	shalt  }
0x65: {  	_ =	shalt  }
0x66: {  	_ =	shalt  }
0x67: {  	_ =	shalt  }
0x68: {  	_ =	shalt  }
0x69: {  	_ =	shalt  }
0x6a: {  	_ =	shalt  }
0x6b: {  	_ =	shalt  }
0x6c: {  	_ =	shalt  }
0x6d: {  	_ =	shalt  }
0x6e: {  	_ =	shalt  }
0x6f: {  	_ =	shalt  }
0x70: {  	_ =	shalt  }
0x71: {  	_ =	shalt  }
0x72: {  	_ =	shalt  }
0x73: {  	_ =	shalt  }
0x74: {  	_ =	shalt  }
0x75: {  	_ =	shalt  }
0x76: {  	_ =	shalt  }
0x77: {  	_ =	shalt  }
0x78: {  	_ =	shalt  }
0x79: {  	_ =	shalt  }
0x7a: {  	_ =	shalt  }
0x7b: {  	_ =	shalt  }
0x7c: {  	_ =	shalt  }
0x7d: {  	_ =	shalt  }
0x7e: {  	_ =	shalt  }
0x7f: {  	_ =	shalt  }
0x80: {  	_ =	shalt  }
0x81: {  	_ =	shalt  }
0x82: {  	_ =	shalt  }
0x83: {  	_ =	shalt  }
0x84: {  	_ =	shalt  }
0x85: {  	_ =	shalt  }
0x86: {  	_ =	shalt  }
0x87: {  	_ =	shalt  }
.Lfunc_end0:
.L_simem_size_0:
called_computation_lowered:
.L_overlay_start_0:
0x88: {  	s2 =	sld [smem:$0x3FD9]  }
0x89: {  	s3 =	sld [smem:$0x3FFE];
	_ =	sdelay $0x1  }
0x8a: {  	s1 =	srdreg.scid  }
0x8b: {  	s0 =	sand.u32 $0x1, s1  }
0x8c: {  	s17 =	sshll.u32 s0, $0xA;
	s2 =	sadd.s32 s3, s2  }
0x8d: {  	s2 =	sadd.s32 s2, s17  }
0x8e: {  	[smem:$0x3FC1] =	sst s2  }
0x8f: {  	_ = 	snop  }
0x90: {  	s2 =	sld [smem:$0x3FC9]  }
0x91: {  	s18 =	sld [smem:$0x3FD0];
	(tm) =	ssettm $0x1  }
0x92: {  	s4 =	sld [smem:$0x3FFB];
	_ =	sdelay $0x3  }
0x93: {  	_ =	strace s4  }
0x94: {  	s4 =	sld [smem:$0x3FFC];
	_ =	sdelay $0x3  }
0x95: {  	_ =	strace s4  }
0x96: {  	s4 =	sld [smem:$0x3FFD];
	_ =	sdelay $0x3  }
0x97: {  	_ =	strace s4  }
0x98: {  	_ =	strace $0x8FFFFFFF  }
0x99: {  	s19 =	sld [smem:$0x3FDB];
	_ =	sdelay $0x1  }
0x9a: {  	s5 =	simm.s32 $_scs_section_size  }
0x9b: {  	s6 =	simm.s32 $_size__tile_overlayer_lowered;
	s7 =	simm.s32 $_tile_overlayer_lowered  }
0x9c: {  	s22 =	simm.s32 $0x1BFF;
	s21 =	sshll.u32 s7, $0x1;
	s4 =	sadd.s32 s5, s19  }
0x9d: {  	s8 =	simm.s32 $0x0;
	s20 =	sshll.u32 s6, $0x1;
	s6 =	sadd.s32 s21, s4  }
0x9e: {  	[timem:s8], [sflag:s22] =	dma.local [hbm:s6], s20  }
0x9f: {  	_ =	swait.ge [sflag:s22], s20  }
0xa0: {  	s5 =	ssub.s32 $0x0, s20;
	[sflag:s22] =	ssyncset.done $0x0  }
0xa1: {  	[sflag:s22] =	ssyncadd.s32 s5;
	_ =	sdelay $0x1  }
0xa2: {  	s23 =	simm.s32 $0x1B8B  }
0xa3: {  	_ =	swait.ge [sflag:s23], $0x1  }
0xa4: {  	[sflag:s23] =	ssyncset.done $0x0  }
0xa5: {  	s25 =	simm.s32 $0x1B8E;
	s24 =	sld [smem:$0x3FFE];
	[sflag:s23] =	ssyncadd.s32 $0xFFFFFFFF  }
0xa6: {  	s26 =	simm.s32 $execute0_lowered;
	[smem:$0x3FD2] =	sst s25  }
0xa7: {  	s6 =	sshll.u32 s26, $0x1;
	_ =	strace $0x80000046;
	[dreg:$0x1] =	wrdreg $0xFFFFFFFF  }
0xa8: {  	s28 =	simm.s32 $_size_execute0_lowered;
	s4 =	sadd.s32 s4, s6;
	[dreg:$0x0] =	wrdreg $0x0  }
0xa9: {  	s6 =	sshll.u32 s28, $0x1;
	[dreg:$0x2] =	wrdreg s4  }
0xaa: {  	[dreg:$0x3] =	wrdreg s6  }
0xab: {  	[dreg:$0x4] =	wrdreg $0xC0  }
0xac: {  	_ =	task [dreg:s8], $0x5FFFF  }
0xad: {  	[dreg:$0x1] =	wrdreg $0xFFFFFFFF  }
0xae: {  	[dreg:$0x0] =	wrdreg $0x60  }
0xaf: {  	[dreg:$0x2] =	wrdreg s2  }
0xb0: {  	[dreg:$0x3] =	wrdreg s18  }
0xb1: {  	[dreg:$0x4] =	wrdreg s24  }
0xb2: {  	[dreg:$0x5] =	wrdreg $0x9  }
0xb3: {  	_ =	task.clear_ibuf [dreg:s8], $0x6FFFF;
	_ =	strace $0x90000046  }
0xb4: {  	s29 =	simm.s32 $0x9;
	_ =	strace $0x80000048  }
0xb5: {  	_ =	swait.ge [sflag:s29], $0x1  }
0xb6: {  	[sflag:s29] =	ssyncadd.s32 $0xFFFFFFFF  }
0xb7: {  	_ =	strace $0x90000048  }
0xb8: {  	_ =	sfence  }
0xb9: {  	s30 =	sld [smem:$0x0];
	_ =	sdelay $0x2  }
0xba: {  	s31 =	sshll.u32 s1, $0xD;
	s1 =	sshrl.u32 s1, $0x2  }
0xbb: {  	s3 =	sand.u32 $0x4000, s31;
	s1 =	sadd.s32 s1, s30  }
0xbc: {  	s0 =	sor.u32 s3, s0;
	s1 =	sshll.u32 s1, $0x11  }
0xbd: {  	s0 =	sor.u32 s1, s0  }
0xbe: {  	s0 =	sadd.s32 $0x8F2B, s0  }
0xbf: {  	[sflag:s0] =	ssyncadd.remote.s32 $0x1  }
0xc0: {  	_ =	sfence.sel $0xFFFF  }
0xc1: {  	[dreg:$0x0] =	wrdreg $0xFFFFFFFF;
	(pc) =	sbr.abs _section_cstart, $3  }
0xc2: {  	[dreg:$0x1] =	wrdreg $0xFFFFFFFF  }
0xc3: {  	_ =	task.clear_ibuf [dreg:s8], $0x2FFFF;
	_ =	strace $0x9FFFFFFF  }
0xc4: {  	(tm) =	ssettm $0x7FFFFFFF  }
0xc5: {  	_ =	shalt  }
tec
execute0_lowered:
.L_overlay_start_1:
0x0: {  	(tag) =	ssettag $0x1  }
0x1: {  	s1 =	rddreg [dreg:$0x0]  }
0x2: {  	s0 =	rddreg [dreg:$0x1]  }
0x3: {  	s2 =	rddreg [dreg:$0x2]  }
0x4: {  	s3 =	srdreg.scid;
	s5 =	stileid.u32  }
0x5: {  	s18 =	simm.s32 $0x1;
	s4 =	sand.u32 $0x1, s3;
	s3 =	simm.s32 $0x0  }
0x6: {  	s5 =	sshll.u32 s5, $0x9;
	s2 =	sadd.s32 $0x1800, s2;
	s6 =	sshll.u32 s4, $0x8  }
0x7: {  	[smem:$0x7FF] =	sst s3;
	s4 =	ssub.s32 $0x2, s4;
	s6 =	sor.u32 s6, s5  }
0x8: {  	_ =	strace $0x80000047;
	s20 =	sshrl.u32 s4, $0x1;
	s7 =	sshrl.u32 s6, $0x3  }
0x9: {  	s8 =	ssub.s32 s4, s20;
	s22 =	sshll.u32 s6, $0x7;
	s23 =	sor.u32 $0x40, s6  }
0xa: {  	s4 =	sadd.s32 $0x100, s1;
	s25 =	sor.u32 $0x80, s6;
	s6 =	sor.u32 $0xC0, s6  }
0xb: {  	s21 =	sadd.s32 s0, s7;
	s5 =	sadd.s32 s2, s22;
	s9 =	sshrl.u32 s23, $0x3  }
0xc: {  	s7 =	sshll.u32 s23, $0x7;
	s26 =	sshrl.u32 s25, $0x3;
	[dreg:$0x4] =	wrdreg s21  }
0xd: {  	s29 =	sshrl.u32 s6, $0x3;
	[dreg:$0x5] =	wrdreg s5;
	s24 =	sadd.s32 s0, s9  }
0xe: {  	s30 =	sshll.u32 s6, $0x7;
	s7 =	sadd.s32 s2, s7;
	[dreg:$0x6] =	wrdreg s24  }
0xf: {  	s6 =	sadd.s32 $0x300, s1;
	s31 =	sadd.s32 s2, s30;
	[dreg:$0x7] =	wrdreg s7  }
0x10: {  	s9 =	sshll.u32 s25, $0x7;
	s7 =	sadd.s32 s0, s26;
	[dreg:$0xb] =	wrdreg s31  }
0x11: {  	v2 =	vlaneseq.u32;
	s23 =	simm.s32 $0x80;
	s28 =	sadd.s32 s2, s9;
	[dreg:$0x8] =	wrdreg s7  }
0x12: {  	vm0 =	vmmov $0xffff;
	v1 =	vshrl.u32 v2, $0x3;
	s5 =	sadd.s32 $0x200, s1;
	s0 =	sadd.s32 s0, s29;
	[dreg:$0x9] =	wrdreg s28  }
0x13: {  	v0 =	vand.u32 $0x7, v2;
	v2 =	vor.u32 $0x8, v2;
	v1 =	vmul.u32 $0x8, v1;
	[dreg:$0xa] =	wrdreg s0;
	s7 =	smax.u32 s8, $0x1;
	s8 =	simm.s32 $0x2  }
.LBB2_1:
0x14: {  	s19 =	rddreg [dreg:$0x4]  }
0x15: {  	[tilespmem:s3], [sflag:$0x2] =	stream.linear.gather [hbm4b:s19+s3], $0x40, $0x38;
	[tilespmem:$0x10080] =	vst v63  }
0x16: {  	_ =	swait.ge [sflag:s8], $0x40  }
0x17: {  	[sflag:s8] =	ssyncset.done $0x0  }
0x18: {  	[sflag:s8] =	ssyncadd.s32 $0xFFFFFFC0  }
0x19: {  	v3 =	vld [tilespmem:$0x0];
	_ =	sdelay $0x4  }
0x1a: {  	v4 =	vshll.u32 v3, $0x3  }
0x1b: {  	v3 =	vand.u32 $0x7, v3;
	v4 =	vand.u32 $0xFFFFFFC0, v4  }
0x1c: {  	v3 =	vor.u32 v3, v4  }
0x1d: {  	v4 =	vperm.xlane v3, v0;
	_ =	sdelay $0x1  }
0x1e: {  	v4 =	vadd.s32 v1, v4;
	_ =	sdelay $0x4  }
0x1f: {  	[tilespmem:s23], [sflag:$0x1] =	stream.indirect_vreg.gather [hbm4b:s1+s3], $0x80, v4, vm0, $0xb8;
	[tilespmem:$0x10080] =	vst v63  }
0x20: {  	s0 =	simm.s32 $0x880;
	v3 =	vperm.xlane v3, v2  }
0x21: {  	[tilespmem:s0], [sflag:$0x1] =	stream.indirect_vreg.gather [hbm4b:s4+s3], $0x80, v4, vm0, $0xb8;
	[tilespmem:$0x10080] =	vst v63  }
0x22: {  	s12 =	simm.s32 $0x1080;
	v3 =	vadd.s32 v1, v3  }
0x23: {  	[tilespmem:s12], [sflag:$0x1] =	stream.indirect_vreg.gather [hbm4b:s5+s3], $0x80, v4, vm0, $0xb8;
	[tilespmem:$0x10080] =	vst v63  }
0x24: {  	s13 =	simm.s32 $0x1880  }
0x25: {  	[tilespmem:s13], [sflag:$0x1] =	stream.indirect_vreg.gather [hbm4b:s6+s3], $0x80, v4, vm0, $0xb8;
	[tilespmem:$0x10080] =	vst v63  }
0x26: {  	s15 =	simm.s32 $0x2080  }
0x27: {  	[tilespmem:s15], [sflag:$0x1] =	stream.indirect_vreg.gather [hbm4b:s1+s3], $0x80, v3, vm0, $0xb8;
	[tilespmem:$0x10080] =	vst v63  }
0x28: {  	s16 =	simm.s32 $0x2880  }
0x29: {  	[tilespmem:s16], [sflag:$0x1] =	stream.indirect_vreg.gather [hbm4b:s4+s3], $0x80, v3, vm0, $0xb8;
	[tilespmem:$0x10080] =	vst v63  }
0x2a: {  	s17 =	simm.s32 $0x3080  }
0x2b: {  	[tilespmem:s17], [sflag:$0x1] =	stream.indirect_vreg.gather [hbm4b:s5+s3], $0x80, v3, vm0, $0xb8;
	[tilespmem:$0x10080] =	vst v63  }
0x2c: {  	s19 =	simm.s32 $0x3880  }
0x2d: {  	[tilespmem:s19], [sflag:$0x1] =	stream.indirect_vreg.gather [hbm4b:s6+s3], $0x80, v3, vm0, $0xb8;
	[tilespmem:$0x10080] =	vst v63  }
0x2e: {  	v3 =	vld [tilespmem:$0x10];
	_ =	sdelay $0x4  }
0x2f: {  	v49 =	vshll.u32 v3, $0x3  }
0x30: {  	v3 =	vand.u32 $0x7, v3;
	v4 =	vand.u32 $0xFFFFFFC0, v49  }
0x31: {  	v3 =	vor.u32 v3, v4  }
0x32: {  	v4 =	vperm.xlane v3, v0;
	_ =	sdelay $0x1  }
0x33: {  	v4 =	vadd.s32 v1, v4;
	_ =	sdelay $0x3  }
0x34: {  	s20 =	simm.s32 $0x4080  }
0x35: {  	[tilespmem:s20], [sflag:$0x1] =	stream.indirect_vreg.gather [hbm4b:s1+s3], $0x80, v4, vm0, $0xb8;
	[tilespmem:$0x10080] =	vst v63  }
0x36: {  	s21 =	simm.s32 $0x4880;
	v3 =	vperm.xlane v3, v2  }
0x37: {  	[tilespmem:s21], [sflag:$0x1] =	stream.indirect_vreg.gather [hbm4b:s4+s3], $0x80, v4, vm0, $0xb8;
	[tilespmem:$0x10080] =	vst v63  }
0x38: {  	s22 =	simm.s32 $0x5080;
	v3 =	vadd.s32 v1, v3  }
0x39: {  	[tilespmem:s22], [sflag:$0x1] =	stream.indirect_vreg.gather [hbm4b:s5+s3], $0x80, v4, vm0, $0xb8;
	[tilespmem:$0x10080] =	vst v63  }
0x3a: {  	s24 =	simm.s32 $0x5880  }
0x3b: {  	[tilespmem:s24], [sflag:$0x1] =	stream.indirect_vreg.gather [hbm4b:s6+s3], $0x80, v4, vm0, $0xb8;
	[tilespmem:$0x10080] =	vst v63  }
0x3c: {  	s25 =	simm.s32 $0x6080  }
0x3d: {  	[tilespmem:s25], [sflag:$0x1] =	stream.indirect_vreg.gather [hbm4b:s1+s3], $0x80, v3, vm0, $0xb8;
	[tilespmem:$0x10080] =	vst v63  }
0x3e: {  	s26 =	simm.s32 $0x6880  }
0x3f: {  	[tilespmem:s26], [sflag:$0x1] =	stream.indirect_vreg.gather [hbm4b:s4+s3], $0x80, v3, vm0, $0xb8;
	[tilespmem:$0x10080] =	vst v63  }
0x40: {  	s28 =	simm.s32 $0x7080  }
0x41: {  	[tilespmem:s28], [sflag:$0x1] =	stream.indirect_vreg.gather [hbm4b:s5+s3], $0x80, v3, vm0, $0xb8;
	[tilespmem:$0x10080] =	vst v63  }
0x42: {  	s29 =	simm.s32 $0x7880  }
0x43: {  	[tilespmem:s29], [sflag:$0x1] =	stream.indirect_vreg.gather [hbm4b:s6+s3], $0x80, v3, vm0, $0xb8;
	[tilespmem:$0x10080] =	vst v63  }
0x44: {  	v3 =	vld [tilespmem:$0x20];
	_ =	sdelay $0x4  }
0x45: {  	v50 =	vshll.u32 v3, $0x3  }
0x46: {  	v3 =	vand.u32 $0x7, v3;
	v4 =	vand.u32 $0xFFFFFFC0, v50  }
0x47: {  	v3 =	vor.u32 v3, v4  }
0x48: {  	v4 =	vperm.xlane v3, v0;
	_ =	sdelay $0x1  }
0x49: {  	v4 =	vadd.s32 v1, v4;
	_ =	sdelay $0x3  }
0x4a: {  	s30 =	simm.s32 $0x8080  }
0x4b: {  	[tilespmem:s30], [sflag:$0x1] =	stream.indirect_vreg.gather [hbm4b:s1+s3], $0x80, v4, vm0, $0xb8;
	[tilespmem:$0x10080] =	vst v63  }
0x4c: {  	s16 =	simm.s32 $0x8880;
	v3 =	vperm.xlane v3, v2  }
0x4d: {  	[tilespmem:s16], [sflag:$0x1] =	stream.indirect_vreg.gather [hbm4b:s4+s3], $0x80, v4, vm0, $0xb8;
	[tilespmem:$0x10080] =	vst v63  }
0x4e: {  	s17 =	simm.s32 $0x9080;
	v3 =	vadd.s32 v1, v3  }
0x4f: {  	[tilespmem:s17], [sflag:$0x1] =	stream.indirect_vreg.gather [hbm4b:s5+s3], $0x80, v4, vm0, $0xb8;
	[tilespmem:$0x10080] =	vst v63  }
0x50: {  	s19 =	simm.s32 $0x9880  }
0x51: {  	[tilespmem:s19], [sflag:$0x1] =	stream.indirect_vreg.gather [hbm4b:s6+s3], $0x80, v4, vm0, $0xb8;
	[tilespmem:$0x10080] =	vst v63  }
0x52: {  	s20 =	simm.s32 $0xA080  }
0x53: {  	[tilespmem:s20], [sflag:$0x1] =	stream.indirect_vreg.gather [hbm4b:s1+s3], $0x80, v3, vm0, $0xb8;
	[tilespmem:$0x10080] =	vst v63  }
0x54: {  	s21 =	simm.s32 $0xA880  }
0x55: {  	[tilespmem:s21], [sflag:$0x1] =	stream.indirect_vreg.gather [hbm4b:s4+s3], $0x80, v3, vm0, $0xb8;
	[tilespmem:$0x10080] =	vst v63  }
0x56: {  	s22 =	simm.s32 $0xB080  }
0x57: {  	[tilespmem:s22], [sflag:$0x1] =	stream.indirect_vreg.gather [hbm4b:s5+s3], $0x80, v3, vm0, $0xb8;
	[tilespmem:$0x10080] =	vst v63  }
0x58: {  	s24 =	simm.s32 $0xB880  }
0x59: {  	[tilespmem:s24], [sflag:$0x1] =	stream.indirect_vreg.gather [hbm4b:s6+s3], $0x80, v3, vm0, $0xb8;
	[tilespmem:$0x10080] =	vst v63  }
0x5a: {  	v3 =	vld [tilespmem:$0x30];
	_ =	sdelay $0x4  }
0x5b: {  	v51 =	vshll.u32 v3, $0x3  }
0x5c: {  	v3 =	vand.u32 $0x7, v3;
	v4 =	vand.u32 $0xFFFFFFC0, v51  }
0x5d: {  	v3 =	vor.u32 v3, v4  }
0x5e: {  	v4 =	vperm.xlane v3, v0;
	_ =	sdelay $0x1  }
0x5f: {  	v4 =	vadd.s32 v1, v4;
	_ =	sdelay $0x3  }
0x60: {  	s25 =	simm.s32 $0xC080  }
0x61: {  	[tilespmem:s25], [sflag:$0x1] =	stream.indirect_vreg.gather [hbm4b:s1+s3], $0x80, v4, vm0, $0xb8;
	[tilespmem:$0x10080] =	vst v63  }
0x62: {  	s26 =	simm.s32 $0xC880;
	v3 =	vperm.xlane v3, v2  }
0x63: {  	[tilespmem:s26], [sflag:$0x1] =	stream.indirect_vreg.gather [hbm4b:s4+s3], $0x80, v4, vm0, $0xb8;
	[tilespmem:$0x10080] =	vst v63  }
0x64: {  	s29 =	simm.s32 $0xD080;
	v3 =	vadd.s32 v1, v3  }
0x65: {  	[tilespmem:s29], [sflag:$0x1] =	stream.indirect_vreg.gather [hbm4b:s5+s3], $0x80, v4, vm0, $0xb8;
	[tilespmem:$0x10080] =	vst v63  }
0x66: {  	s0 =	simm.s32 $0xD880  }
0x67: {  	[tilespmem:s0], [sflag:$0x1] =	stream.indirect_vreg.gather [hbm4b:s6+s3], $0x80, v4, vm0, $0xb8;
	[tilespmem:$0x10080] =	vst v63  }
0x68: {  	s16 =	simm.s32 $0xE080  }
0x69: {  	[tilespmem:s16], [sflag:$0x1] =	stream.indirect_vreg.gather [hbm4b:s1+s3], $0x80, v3, vm0, $0xb8;
	[tilespmem:$0x10080] =	vst v63  }
0x6a: {  	s17 =	simm.s32 $0xE880  }
0x6b: {  	[tilespmem:s17], [sflag:$0x1] =	stream.indirect_vreg.gather [hbm4b:s4+s3], $0x80, v3, vm0, $0xb8;
	[tilespmem:$0x10080] =	vst v63  }
0x6c: {  	s24 =	simm.s32 $0xF080  }
0x6d: {  	[tilespmem:s24], [sflag:$0x1] =	stream.indirect_vreg.gather [hbm4b:s5+s3], $0x80, v3, vm0, $0xb8;
	[tilespmem:$0x10080] =	vst v63  }
0x6e: {  	s25 =	simm.s32 $0xF880  }
0x6f: {  	[tilespmem:s25], [sflag:$0x1] =	stream.indirect_vreg.gather [hbm4b:s6+s3], $0x80, v3, vm0, $0xb8;
	[tilespmem:$0x10080] =	vst v63  }
0x70: {  	_ =	swait.ge [sflag:s18], $0x10000  }
0x71: {  	[sflag:s18] =	ssyncset.done $0x0  }
0x72: {  	s0 =	rddreg [dreg:$0x5];
	[sflag:s18] =	ssyncadd.s32 $0xFFFF0000  }
0x73: {  	[hbm4b:s0+s3] =	stream.linear.scatter [tilespmem:s23], [sflag:$0x2], $0x10000, $0x38;
	[tilespmem:$0x10080] =	vst v63  }
0x74: {  	_ =	swait.ge [sflag:s8], $0x10000  }
0x75: {  	[sflag:s8] =	ssyncset.done $0x0  }
0x76: {  	s16 =	rddreg [dreg:$0x6];
	[sflag:s8] =	ssyncadd.s32 $0xFFFF0000  }
0x77: {  	[tilespmem:s3], [sflag:$0x2] =	stream.linear.gather [hbm4b:s16+s3], $0x40, $0x38;
	[tilespmem:$0x10080] =	vst v63  }
0x78: {  	_ =	swait.ge [sflag:s8], $0x40  }
0x79: {  	[sflag:s8] =	ssyncset.done $0x0  }
0x7a: {  	[sflag:s8] =	ssyncadd.s32 $0xFFFFFFC0  }
0x7b: {  	v3 =	vld [tilespmem:$0x0];
	_ =	sdelay $0x4  }
0x7c: {  	v52 =	vshll.u32 v3, $0x3  }
0x7d: {  	v3 =	vand.u32 $0x7, v3;
	v4 =	vand.u32 $0xFFFFFFC0, v52  }
0x7e: {  	v3 =	vor.u32 v3, v4  }
0x7f: {  	v4 =	vperm.xlane v3, v0;
	_ =	sdelay $0x1  }
0x80: {  	v4 =	vadd.s32 v1, v4;
	_ =	sdelay $0x4  }
0x81: {  	[tilespmem:s23], [sflag:$0x1] =	stream.indirect_vreg.gather [hbm4b:s1+s3], $0x80, v4, vm0, $0xb8;
	[tilespmem:$0x10080] =	vst v63  }
0x82: {  	s14 =	simm.s32 $0x880;
	v3 =	vperm.xlane v3, v2  }
0x83: {  	[tilespmem:s14], [sflag:$0x1] =	stream.indirect_vreg.gather [hbm4b:s4+s3], $0x80, v4, vm0, $0xb8;
	[tilespmem:$0x10080] =	vst v63  }
0x84: {  	s2 =	simm.s32 $0x1080;
	v3 =	vadd.s32 v1, v3  }
0x85: {  	[tilespmem:s2], [sflag:$0x1] =	stream.indirect_vreg.gather [hbm4b:s5+s3], $0x80, v4, vm0, $0xb8;
	[tilespmem:$0x10080] =	vst v63  }
0x86: {  	s9 =	simm.s32 $0x1880  }
0x87: {  	[tilespmem:s9], [sflag:$0x1] =	stream.indirect_vreg.gather [hbm4b:s6+s3], $0x80, v4, vm0, $0xb8;
	[tilespmem:$0x10080] =	vst v63  }
0x88: {  	s10 =	simm.s32 $0x2080  }
0x89: {  	[tilespmem:s10], [sflag:$0x1] =	stream.indirect_vreg.gather [hbm4b:s1+s3], $0x80, v3, vm0, $0xb8;
	[tilespmem:$0x10080] =	vst v63  }
0x8a: {  	s11 =	simm.s32 $0x2880  }
0x8b: {  	[tilespmem:s11], [sflag:$0x1] =	stream.indirect_vreg.gather [hbm4b:s4+s3], $0x80, v3, vm0, $0xb8;
	[tilespmem:$0x10080] =	vst v63  }
0x8c: {  	s12 =	simm.s32 $0x3080  }
0x8d: {  	[tilespmem:s12], [sflag:$0x1] =	stream.indirect_vreg.gather [hbm4b:s5+s3], $0x80, v3, vm0, $0xb8;
	[tilespmem:$0x10080] =	vst v63  }
0x8e: {  	s15 =	simm.s32 $0x3880  }
0x8f: {  	[tilespmem:s15], [sflag:$0x1] =	stream.indirect_vreg.gather [hbm4b:s6+s3], $0x80, v3, vm0, $0xb8;
	[tilespmem:$0x10080] =	vst v63  }
0x90: {  	v3 =	vld [tilespmem:$0x10];
	_ =	sdelay $0x4  }
0x91: {  	v53 =	vshll.u32 v3, $0x3  }
0x92: {  	v3 =	vand.u32 $0x7, v3;
	v4 =	vand.u32 $0xFFFFFFC0, v53  }
0x93: {  	v3 =	vor.u32 v3, v4  }
0x94: {  	v4 =	vperm.xlane v3, v0;
	_ =	sdelay $0x1  }
0x95: {  	v4 =	vadd.s32 v1, v4;
	_ =	sdelay $0x3  }
0x96: {  	s16 =	simm.s32 $0x4080  }
0x97: {  	[tilespmem:s16], [sflag:$0x1] =	stream.indirect_vreg.gather [hbm4b:s1+s3], $0x80, v4, vm0, $0xb8;
	[tilespmem:$0x10080] =	vst v63  }
0x98: {  	s31 =	simm.s32 $0x4880;
	v3 =	vperm.xlane v3, v2  }
0x99: {  	[tilespmem:s31], [sflag:$0x1] =	stream.indirect_vreg.gather [hbm4b:s4+s3], $0x80, v4, vm0, $0xb8;
	[tilespmem:$0x10080] =	vst v63  }
0x9a: {  	s13 =	simm.s32 $0x5080;
	v3 =	vadd.s32 v1, v3  }
0x9b: {  	[tilespmem:s13], [sflag:$0x1] =	stream.indirect_vreg.gather [hbm4b:s5+s3], $0x80, v4, vm0, $0xb8;
	[tilespmem:$0x10080] =	vst v63  }
0x9c: {  	s31 =	simm.s32 $0x5880  }
0x9d: {  	[tilespmem:s31], [sflag:$0x1] =	stream.indirect_vreg.gather [hbm4b:s6+s3], $0x80, v4, vm0, $0xb8;
	[tilespmem:$0x10080] =	vst v63  }
0x9e: {  	s0 =	simm.s32 $0x6080  }
0x9f: {  	[tilespmem:s0], [sflag:$0x1] =	stream.indirect_vreg.gather [hbm4b:s1+s3], $0x80, v3, vm0, $0xb8;
	[tilespmem:$0x10080] =	vst v63  }
0xa0: {  	s2 =	simm.s32 $0x6880  }
0xa1: {  	[tilespmem:s2], [sflag:$0x1] =	stream.indirect_vreg.gather [hbm4b:s4+s3], $0x80, v3, vm0, $0xb8;
	[tilespmem:$0x10080] =	vst v63  }
0xa2: {  	s9 =	simm.s32 $0x7080  }
0xa3: {  	[tilespmem:s9], [sflag:$0x1] =	stream.indirect_vreg.gather [hbm4b:s5+s3], $0x80, v3, vm0, $0xb8;
	[tilespmem:$0x10080] =	vst v63  }
0xa4: {  	s13 =	simm.s32 $0x7880  }
0xa5: {  	[tilespmem:s13], [sflag:$0x1] =	stream.indirect_vreg.gather [hbm4b:s6+s3], $0x80, v3, vm0, $0xb8;
	[tilespmem:$0x10080] =	vst v63  }
0xa6: {  	v3 =	vld [tilespmem:$0x20];
	_ =	sdelay $0x4  }
0xa7: {  	v54 =	vshll.u32 v3, $0x3  }
0xa8: {  	v3 =	vand.u32 $0x7, v3;
	v4 =	vand.u32 $0xFFFFFFC0, v54  }
0xa9: {  	v3 =	vor.u32 v3, v4  }
0xaa: {  	v4 =	vperm.xlane v3, v0;
	_ =	sdelay $0x1  }
0xab: {  	v4 =	vadd.s32 v1, v4;
	_ =	sdelay $0x3  }
0xac: {  	s14 =	simm.s32 $0x8080  }
0xad: {  	[tilespmem:s14], [sflag:$0x1] =	stream.indirect_vreg.gather [hbm4b:s1+s3], $0x80, v4, vm0, $0xb8;
	[tilespmem:$0x10080] =	vst v63  }
0xae: {  	s15 =	simm.s32 $0x8880;
	v3 =	vperm.xlane v3, v2  }
0xaf: {  	[tilespmem:s15], [sflag:$0x1] =	stream.indirect_vreg.gather [hbm4b:s4+s3], $0x80, v4, vm0, $0xb8;
	[tilespmem:$0x10080] =	vst v63  }
0xb0: {  	s10 =	simm.s32 $0x9080;
	v3 =	vadd.s32 v1, v3  }
0xb1: {  	[tilespmem:s10], [sflag:$0x1] =	stream.indirect_vreg.gather [hbm4b:s5+s3], $0x80, v4, vm0, $0xb8;
	[tilespmem:$0x10080] =	vst v63  }
0xb2: {  	s11 =	simm.s32 $0x9880  }
0xb3: {  	[tilespmem:s11], [sflag:$0x1] =	stream.indirect_vreg.gather [hbm4b:s6+s3], $0x80, v4, vm0, $0xb8;
	[tilespmem:$0x10080] =	vst v63  }
0xb4: {  	s12 =	simm.s32 $0xA080  }
0xb5: {  	[tilespmem:s12], [sflag:$0x1] =	stream.indirect_vreg.gather [hbm4b:s1+s3], $0x80, v3, vm0, $0xb8;
	[tilespmem:$0x10080] =	vst v63  }
0xb6: {  	s30 =	simm.s32 $0xA880  }
0xb7: {  	[tilespmem:s30], [sflag:$0x1] =	stream.indirect_vreg.gather [hbm4b:s4+s3], $0x80, v3, vm0, $0xb8;
	[tilespmem:$0x10080] =	vst v63  }
0xb8: {  	s28 =	simm.s32 $0xB080  }
0xb9: {  	[tilespmem:s28], [sflag:$0x1] =	stream.indirect_vreg.gather [hbm4b:s5+s3], $0x80, v3, vm0, $0xb8;
	[tilespmem:$0x10080] =	vst v63  }
0xba: {  	s20 =	simm.s32 $0xB880  }
0xbb: {  	[tilespmem:s20], [sflag:$0x1] =	stream.indirect_vreg.gather [hbm4b:s6+s3], $0x80, v3, vm0, $0xb8;
	[tilespmem:$0x10080] =	vst v63  }
0xbc: {  	v3 =	vld [tilespmem:$0x30];
	_ =	sdelay $0x4  }
0xbd: {  	v55 =	vshll.u32 v3, $0x3  }
0xbe: {  	v3 =	vand.u32 $0x7, v3;
	v4 =	vand.u32 $0xFFFFFFC0, v55  }
0xbf: {  	v3 =	vor.u32 v3, v4  }
0xc0: {  	v4 =	vperm.xlane v3, v0;
	_ =	sdelay $0x1  }
0xc1: {  	v4 =	vadd.s32 v1, v4;
	_ =	sdelay $0x3  }
0xc2: {  	s21 =	simm.s32 $0xC080  }
0xc3: {  	[tilespmem:s21], [sflag:$0x1] =	stream.indirect_vreg.gather [hbm4b:s1+s3], $0x80, v4, vm0, $0xb8;
	[tilespmem:$0x10080] =	vst v63  }
0xc4: {  	s22 =	simm.s32 $0xC880;
	v3 =	vperm.xlane v3, v2  }
0xc5: {  	[tilespmem:s22], [sflag:$0x1] =	stream.indirect_vreg.gather [hbm4b:s4+s3], $0x80, v4, vm0, $0xb8;
	[tilespmem:$0x10080] =	vst v63  }
0xc6: {  	v3 =	vadd.s32 v1, v3;
	s22 =	simm.s32 $0xD080  }
0xc7: {  	[tilespmem:s22], [sflag:$0x1] =	stream.indirect_vreg.gather [hbm4b:s5+s3], $0x80, v4, vm0, $0xb8;
	[tilespmem:$0x10080] =	vst v63  }
0xc8: {  	s26 =	simm.s32 $0xD880  }
0xc9: {  	[tilespmem:s26], [sflag:$0x1] =	stream.indirect_vreg.gather [hbm4b:s6+s3], $0x80, v4, vm0, $0xb8;
	[tilespmem:$0x10080] =	vst v63  }
0xca: {  	s29 =	simm.s32 $0xE080  }
0xcb: {  	[tilespmem:s29], [sflag:$0x1] =	stream.indirect_vreg.gather [hbm4b:s1+s3], $0x80, v3, vm0, $0xb8;
	[tilespmem:$0x10080] =	vst v63  }
0xcc: {  	s26 =	simm.s32 $0xE880  }
0xcd: {  	[tilespmem:s26], [sflag:$0x1] =	stream.indirect_vreg.gather [hbm4b:s4+s3], $0x80, v3, vm0, $0xb8;
	[tilespmem:$0x10080] =	vst v63  }
0xce: {  	s30 =	simm.s32 $0xF080  }
0xcf: {  	[tilespmem:s30], [sflag:$0x1] =	stream.indirect_vreg.gather [hbm4b:s5+s3], $0x80, v3, vm0, $0xb8;
	[tilespmem:$0x10080] =	vst v63  }
0xd0: {  	s17 =	simm.s32 $0xF880  }
0xd1: {  	[tilespmem:s17], [sflag:$0x1] =	stream.indirect_vreg.gather [hbm4b:s6+s3], $0x80, v3, vm0, $0xb8;
	[tilespmem:$0x10080] =	vst v63  }
0xd2: {  	_ =	swait.ge [sflag:s18], $0x10000  }
0xd3: {  	[sflag:s18] =	ssyncset.done $0x0  }
0xd4: {  	s21 =	rddreg [dreg:$0x7];
	[sflag:s18] =	ssyncadd.s32 $0xFFFF0000  }
0xd5: {  	[hbm4b:s21+s3] =	stream.linear.scatter [tilespmem:s23], [sflag:$0x2], $0x10000, $0x38;
	[tilespmem:$0x10080] =	vst v63  }
0xd6: {  	_ =	swait.ge [sflag:s8], $0x10000  }
0xd7: {  	[sflag:s8] =	ssyncset.done $0x0  }
0xd8: {  	s17 =	rddreg [dreg:$0x8];
	[sflag:s8] =	ssyncadd.s32 $0xFFFF0000  }
0xd9: {  	[tilespmem:s3], [sflag:$0x2] =	stream.linear.gather [hbm4b:s17+s3], $0x40, $0x38;
	[tilespmem:$0x10080] =	vst v63  }
0xda: {  	_ =	swait.ge [sflag:s8], $0x40  }
0xdb: {  	[sflag:s8] =	ssyncset.done $0x0  }
0xdc: {  	[sflag:s8] =	ssyncadd.s32 $0xFFFFFFC0  }
0xdd: {  	v3 =	vld [tilespmem:$0x0];
	_ =	sdelay $0x4  }
0xde: {  	v56 =	vshll.u32 v3, $0x3  }
0xdf: {  	v3 =	vand.u32 $0x7, v3;
	v4 =	vand.u32 $0xFFFFFFC0, v56  }
0xe0: {  	v3 =	vor.u32 v3, v4  }
0xe1: {  	v4 =	vperm.xlane v3, v0;
	_ =	sdelay $0x1  }
0xe2: {  	v4 =	vadd.s32 v1, v4;
	_ =	sdelay $0x4  }
0xe3: {  	[tilespmem:s23], [sflag:$0x1] =	stream.indirect_vreg.gather [hbm4b:s1+s3], $0x80, v4, vm0, $0xb8;
	[tilespmem:$0x10080] =	vst v63  }
0xe4: {  	s21 =	simm.s32 $0x880;
	v3 =	vperm.xlane v3, v2  }
0xe5: {  	[tilespmem:s21], [sflag:$0x1] =	stream.indirect_vreg.gather [hbm4b:s4+s3], $0x80, v4, vm0, $0xb8;
	[tilespmem:$0x10080] =	vst v63  }
0xe6: {  	s25 =	simm.s32 $0x1080;
	v3 =	vadd.s32 v1, v3  }
0xe7: {  	[tilespmem:s25], [sflag:$0x1] =	stream.indirect_vreg.gather [hbm4b:s5+s3], $0x80, v4, vm0, $0xb8;
	[tilespmem:$0x10080] =	vst v63  }
0xe8: {  	s25 =	simm.s32 $0x1880  }
0xe9: {  	[tilespmem:s25], [sflag:$0x1] =	stream.indirect_vreg.gather [hbm4b:s6+s3], $0x80, v4, vm0, $0xb8;
	[tilespmem:$0x10080] =	vst v63  }
0xea: {  	s19 =	simm.s32 $0x2080  }
0xeb: {  	[tilespmem:s19], [sflag:$0x1] =	stream.indirect_vreg.gather [hbm4b:s1+s3], $0x80, v3, vm0, $0xb8;
	[tilespmem:$0x10080] =	vst v63  }
0xec: {  	s25 =	simm.s32 $0x2880  }
0xed: {  	[tilespmem:s25], [sflag:$0x1] =	stream.indirect_vreg.gather [hbm4b:s4+s3], $0x80, v3, vm0, $0xb8;
	[tilespmem:$0x10080] =	vst v63  }
0xee: {  	s19 =	simm.s32 $0x3080  }
0xef: {  	[tilespmem:s19], [sflag:$0x1] =	stream.indirect_vreg.gather [hbm4b:s5+s3], $0x80, v3, vm0, $0xb8;
	[tilespmem:$0x10080] =	vst v63  }
0xf0: {  	s25 =	simm.s32 $0x3880  }
0xf1: {  	[tilespmem:s25], [sflag:$0x1] =	stream.indirect_vreg.gather [hbm4b:s6+s3], $0x80, v3, vm0, $0xb8;
	[tilespmem:$0x10080] =	vst v63  }
0xf2: {  	v3 =	vld [tilespmem:$0x10];
	_ =	sdelay $0x4  }
0xf3: {  	v57 =	vshll.u32 v3, $0x3  }
0xf4: {  	v3 =	vand.u32 $0x7, v3;
	v4 =	vand.u32 $0xFFFFFFC0, v57  }
0xf5: {  	v3 =	vor.u32 v3, v4  }
0xf6: {  	v4 =	vperm.xlane v3, v0;
	_ =	sdelay $0x1  }
0xf7: {  	v4 =	vadd.s32 v1, v4;
	_ =	sdelay $0x4  }
0xf8: {  	[tilespmem:s16], [sflag:$0x1] =	stream.indirect_vreg.gather [hbm4b:s1+s3], $0x80, v4, vm0, $0xb8;
	[tilespmem:$0x10080] =	vst v63  }
0xf9: {  	s19 =	simm.s32 $0x4880;
	v3 =	vperm.xlane v3, v2  }
0xfa: {  	[tilespmem:s19], [sflag:$0x1] =	stream.indirect_vreg.gather [hbm4b:s4+s3], $0x80, v4, vm0, $0xb8;
	[tilespmem:$0x10080] =	vst v63  }
0xfb: {  	s25 =	simm.s32 $0x5080;
	v3 =	vadd.s32 v1, v3  }
0xfc: {  	[tilespmem:s25], [sflag:$0x1] =	stream.indirect_vreg.gather [hbm4b:s5+s3], $0x80, v4, vm0, $0xb8;
	[tilespmem:$0x10080] =	vst v63  }
0xfd: {  	_ = 	snop  }
0xfe: {  	[tilespmem:s31], [sflag:$0x1] =	stream.indirect_vreg.gather [hbm4b:s6+s3], $0x80, v4, vm0, $0xb8;
	[tilespmem:$0x10080] =	vst v63  }
0xff: {  	_ = 	snop  }
0x100: {  	[tilespmem:s0], [sflag:$0x1] =	stream.indirect_vreg.gather [hbm4b:s1+s3], $0x80, v3, vm0, $0xb8;
	[tilespmem:$0x10080] =	vst v63  }
0x101: {  	_ = 	snop  }
0x102: {  	[tilespmem:s2], [sflag:$0x1] =	stream.indirect_vreg.gather [hbm4b:s4+s3], $0x80, v3, vm0, $0xb8;
	[tilespmem:$0x10080] =	vst v63  }
0x103: {  	_ = 	snop  }
0x104: {  	[tilespmem:s9], [sflag:$0x1] =	stream.indirect_vreg.gather [hbm4b:s5+s3], $0x80, v3, vm0, $0xb8;
	[tilespmem:$0x10080] =	vst v63  }
0x105: {  	_ = 	snop  }
0x106: {  	[tilespmem:s13], [sflag:$0x1] =	stream.indirect_vreg.gather [hbm4b:s6+s3], $0x80, v3, vm0, $0xb8;
	[tilespmem:$0x10080] =	vst v63  }
0x107: {  	v3 =	vld [tilespmem:$0x20];
	_ =	sdelay $0x4  }
0x108: {  	v58 =	vshll.u32 v3, $0x3  }
0x109: {  	v3 =	vand.u32 $0x7, v3;
	v4 =	vand.u32 $0xFFFFFFC0, v58  }
0x10a: {  	v3 =	vor.u32 v3, v4  }
0x10b: {  	v4 =	vperm.xlane v3, v0;
	_ =	sdelay $0x1  }
0x10c: {  	v4 =	vadd.s32 v1, v4;
	_ =	sdelay $0x4  }
0x10d: {  	[tilespmem:s14], [sflag:$0x1] =	stream.indirect_vreg.gather [hbm4b:s1+s3], $0x80, v4, vm0, $0xb8;
	[tilespmem:$0x10080] =	vst v63  }
0x10e: {  	v3 =	vperm.xlane v3, v2  }
0x10f: {  	[tilespmem:s15], [sflag:$0x1] =	stream.indirect_vreg.gather [hbm4b:s4+s3], $0x80, v4, vm0, $0xb8;
	[tilespmem:$0x10080] =	vst v63  }
0x110: {  	v3 =	vadd.s32 v1, v3  }
0x111: {  	[tilespmem:s10], [sflag:$0x1] =	stream.indirect_vreg.gather [hbm4b:s5+s3], $0x80, v4, vm0, $0xb8;
	[tilespmem:$0x10080] =	vst v63  }
0x112: {  	_ = 	snop  }
0x113: {  	[tilespmem:s11], [sflag:$0x1] =	stream.indirect_vreg.gather [hbm4b:s6+s3], $0x80, v4, vm0, $0xb8;
	[tilespmem:$0x10080] =	vst v63  }
0x114: {  	_ = 	snop  }
0x115: {  	[tilespmem:s12], [sflag:$0x1] =	stream.indirect_vreg.gather [hbm4b:s1+s3], $0x80, v3, vm0, $0xb8;
	[tilespmem:$0x10080] =	vst v63  }
0x116: {  	s24 =	simm.s32 $0xA880  }
0x117: {  	[tilespmem:s24], [sflag:$0x1] =	stream.indirect_vreg.gather [hbm4b:s4+s3], $0x80, v3, vm0, $0xb8;
	[tilespmem:$0x10080] =	vst v63  }
0x118: {  	s28 =	simm.s32 $0xB080  }
0x119: {  	[tilespmem:s28], [sflag:$0x1] =	stream.indirect_vreg.gather [hbm4b:s5+s3], $0x80, v3, vm0, $0xb8;
	[tilespmem:$0x10080] =	vst v63  }
0x11a: {  	s28 =	simm.s32 $0xB880  }
0x11b: {  	[tilespmem:s28], [sflag:$0x1] =	stream.indirect_vreg.gather [hbm4b:s6+s3], $0x80, v3, vm0, $0xb8;
	[tilespmem:$0x10080] =	vst v63  }
0x11c: {  	v3 =	vld [tilespmem:$0x30];
	_ =	sdelay $0x4  }
0x11d: {  	v59 =	vshll.u32 v3, $0x3  }
0x11e: {  	v3 =	vand.u32 $0x7, v3;
	v4 =	vand.u32 $0xFFFFFFC0, v59  }
0x11f: {  	v3 =	vor.u32 v3, v4  }
0x120: {  	v4 =	vperm.xlane v3, v0;
	_ =	sdelay $0x1  }
0x121: {  	v4 =	vadd.s32 v1, v4;
	_ =	sdelay $0x3  }
0x122: {  	s24 =	simm.s32 $0xC080  }
0x123: {  	[tilespmem:s24], [sflag:$0x1] =	stream.indirect_vreg.gather [hbm4b:s1+s3], $0x80, v4, vm0, $0xb8;
	[tilespmem:$0x10080] =	vst v63  }
0x124: {  	s25 =	simm.s32 $0xC880;
	v3 =	vperm.xlane v3, v2  }
0x125: {  	[tilespmem:s25], [sflag:$0x1] =	stream.indirect_vreg.gather [hbm4b:s4+s3], $0x80, v4, vm0, $0xb8;
	[tilespmem:$0x10080] =	vst v63  }
0x126: {  	s20 =	simm.s32 $0xD080;
	v3 =	vadd.s32 v1, v3  }
0x127: {  	[tilespmem:s20], [sflag:$0x1] =	stream.indirect_vreg.gather [hbm4b:s5+s3], $0x80, v4, vm0, $0xb8;
	[tilespmem:$0x10080] =	vst v63  }
0x128: {  	s22 =	simm.s32 $0xD880  }
0x129: {  	[tilespmem:s22], [sflag:$0x1] =	stream.indirect_vreg.gather [hbm4b:s6+s3], $0x80, v4, vm0, $0xb8;
	[tilespmem:$0x10080] =	vst v63  }
0x12a: {  	s29 =	simm.s32 $0xE080  }
0x12b: {  	[tilespmem:s29], [sflag:$0x1] =	stream.indirect_vreg.gather [hbm4b:s1+s3], $0x80, v3, vm0, $0xb8;
	[tilespmem:$0x10080] =	vst v63  }
0x12c: {  	s26 =	simm.s32 $0xE880  }
0x12d: {  	[tilespmem:s26], [sflag:$0x1] =	stream.indirect_vreg.gather [hbm4b:s4+s3], $0x80, v3, vm0, $0xb8;
	[tilespmem:$0x10080] =	vst v63  }
0x12e: {  	s30 =	simm.s32 $0xF080  }
0x12f: {  	[tilespmem:s30], [sflag:$0x1] =	stream.indirect_vreg.gather [hbm4b:s5+s3], $0x80, v3, vm0, $0xb8;
	[tilespmem:$0x10080] =	vst v63  }
0x130: {  	s26 =	simm.s32 $0xF880  }
0x131: {  	[tilespmem:s26], [sflag:$0x1] =	stream.indirect_vreg.gather [hbm4b:s6+s3], $0x80, v3, vm0, $0xb8;
	[tilespmem:$0x10080] =	vst v63  }
0x132: {  	_ =	swait.ge [sflag:s18], $0x10000  }
0x133: {  	[sflag:s18] =	ssyncset.done $0x0  }
0x134: {  	s29 =	rddreg [dreg:$0x9];
	[sflag:s18] =	ssyncadd.s32 $0xFFFF0000  }
0x135: {  	[hbm4b:s29+s3] =	stream.linear.scatter [tilespmem:s23], [sflag:$0x2], $0x10000, $0x38;
	[tilespmem:$0x10080] =	vst v63  }
0x136: {  	_ =	swait.ge [sflag:s8], $0x10000  }
0x137: {  	[sflag:s8] =	ssyncset.done $0x0  }
0x138: {  	s30 =	rddreg [dreg:$0xa];
	[sflag:s8] =	ssyncadd.s32 $0xFFFF0000  }
0x139: {  	[tilespmem:s3], [sflag:$0x2] =	stream.linear.gather [hbm4b:s30+s3], $0x40, $0x38;
	[tilespmem:$0x10080] =	vst v63  }
0x13a: {  	_ =	swait.ge [sflag:s8], $0x40  }
0x13b: {  	[sflag:s8] =	ssyncset.done $0x0  }
0x13c: {  	[sflag:s8] =	ssyncadd.s32 $0xFFFFFFC0  }
0x13d: {  	v3 =	vld [tilespmem:$0x0];
	_ =	sdelay $0x4  }
0x13e: {  	v60 =	vshll.u32 v3, $0x3  }
0x13f: {  	v3 =	vand.u32 $0x7, v3;
	v4 =	vand.u32 $0xFFFFFFC0, v60  }
0x140: {  	v3 =	vor.u32 v3, v4  }
0x141: {  	v4 =	vperm.xlane v3, v0;
	_ =	sdelay $0x1  }
0x142: {  	v4 =	vadd.s32 v1, v4;
	_ =	sdelay $0x4  }
0x143: {  	[tilespmem:s23], [sflag:$0x1] =	stream.indirect_vreg.gather [hbm4b:s1+s3], $0x80, v4, vm0, $0xb8;
	[tilespmem:$0x10080] =	vst v63  }
0x144: {  	s29 =	simm.s32 $0x880;
	v3 =	vperm.xlane v3, v2  }
0x145: {  	[tilespmem:s29], [sflag:$0x1] =	stream.indirect_vreg.gather [hbm4b:s4+s3], $0x80, v4, vm0, $0xb8;
	[tilespmem:$0x10080] =	vst v63  }
0x146: {  	s21 =	simm.s32 $0x1080;
	v3 =	vadd.s32 v1, v3  }
0x147: {  	[tilespmem:s21], [sflag:$0x1] =	stream.indirect_vreg.gather [hbm4b:s5+s3], $0x80, v4, vm0, $0xb8;
	[tilespmem:$0x10080] =	vst v63  }
0x148: {  	s30 =	simm.s32 $0x1880  }
0x149: {  	[tilespmem:s30], [sflag:$0x1] =	stream.indirect_vreg.gather [hbm4b:s6+s3], $0x80, v4, vm0, $0xb8;
	[tilespmem:$0x10080] =	vst v63  }
0x14a: {  	s21 =	simm.s32 $0x2080  }
0x14b: {  	[tilespmem:s21], [sflag:$0x1] =	stream.indirect_vreg.gather [hbm4b:s1+s3], $0x80, v3, vm0, $0xb8;
	[tilespmem:$0x10080] =	vst v63  }
0x14c: {  	s29 =	simm.s32 $0x2880  }
0x14d: {  	[tilespmem:s29], [sflag:$0x1] =	stream.indirect_vreg.gather [hbm4b:s4+s3], $0x80, v3, vm0, $0xb8;
	[tilespmem:$0x10080] =	vst v63  }
0x14e: {  	s30 =	simm.s32 $0x3080  }
0x14f: {  	[tilespmem:s30], [sflag:$0x1] =	stream.indirect_vreg.gather [hbm4b:s5+s3], $0x80, v3, vm0, $0xb8;
	[tilespmem:$0x10080] =	vst v63  }
0x150: {  	s21 =	simm.s32 $0x3880  }
0x151: {  	[tilespmem:s21], [sflag:$0x1] =	stream.indirect_vreg.gather [hbm4b:s6+s3], $0x80, v3, vm0, $0xb8;
	[tilespmem:$0x10080] =	vst v63  }
0x152: {  	v3 =	vld [tilespmem:$0x10];
	_ =	sdelay $0x4  }
0x153: {  	v61 =	vshll.u32 v3, $0x3  }
0x154: {  	v3 =	vand.u32 $0x7, v3;
	v4 =	vand.u32 $0xFFFFFFC0, v61  }
0x155: {  	v3 =	vor.u32 v3, v4  }
0x156: {  	v4 =	vperm.xlane v3, v0;
	_ =	sdelay $0x1  }
0x157: {  	v4 =	vadd.s32 v1, v4;
	_ =	sdelay $0x3  }
0x158: {  	s16 =	simm.s32 $0x4080  }
0x159: {  	[tilespmem:s16], [sflag:$0x1] =	stream.indirect_vreg.gather [hbm4b:s1+s3], $0x80, v4, vm0, $0xb8;
	[tilespmem:$0x10080] =	vst v63  }
0x15a: {  	s29 =	simm.s32 $0x4880;
	v3 =	vperm.xlane v3, v2  }
0x15b: {  	[tilespmem:s29], [sflag:$0x1] =	stream.indirect_vreg.gather [hbm4b:s4+s3], $0x80, v4, vm0, $0xb8;
	[tilespmem:$0x10080] =	vst v63  }
0x15c: {  	s30 =	simm.s32 $0x5080;
	v3 =	vadd.s32 v1, v3  }
0x15d: {  	[tilespmem:s30], [sflag:$0x1] =	stream.indirect_vreg.gather [hbm4b:s5+s3], $0x80, v4, vm0, $0xb8;
	[tilespmem:$0x10080] =	vst v63  }
0x15e: {  	s17 =	simm.s32 $0x5880  }
0x15f: {  	[tilespmem:s17], [sflag:$0x1] =	stream.indirect_vreg.gather [hbm4b:s6+s3], $0x80, v4, vm0, $0xb8;
	[tilespmem:$0x10080] =	vst v63  }
0x160: {  	s0 =	simm.s32 $0x6080  }
0x161: {  	[tilespmem:s0], [sflag:$0x1] =	stream.indirect_vreg.gather [hbm4b:s1+s3], $0x80, v3, vm0, $0xb8;
	[tilespmem:$0x10080] =	vst v63  }
0x162: {  	s2 =	simm.s32 $0x6880  }
0x163: {  	[tilespmem:s2], [sflag:$0x1] =	stream.indirect_vreg.gather [hbm4b:s4+s3], $0x80, v3, vm0, $0xb8;
	[tilespmem:$0x10080] =	vst v63  }
0x164: {  	s9 =	simm.s32 $0x7080  }
0x165: {  	[tilespmem:s9], [sflag:$0x1] =	stream.indirect_vreg.gather [hbm4b:s5+s3], $0x80, v3, vm0, $0xb8;
	[tilespmem:$0x10080] =	vst v63  }
0x166: {  	s13 =	simm.s32 $0x7880  }
0x167: {  	[tilespmem:s13], [sflag:$0x1] =	stream.indirect_vreg.gather [hbm4b:s6+s3], $0x80, v3, vm0, $0xb8;
	[tilespmem:$0x10080] =	vst v63  }
0x168: {  	v3 =	vld [tilespmem:$0x20];
	_ =	sdelay $0x4  }
0x169: {  	v62 =	vshll.u32 v3, $0x3  }
0x16a: {  	v3 =	vand.u32 $0x7, v3;
	v4 =	vand.u32 $0xFFFFFFC0, v62  }
0x16b: {  	v3 =	vor.u32 v3, v4  }
0x16c: {  	v4 =	vperm.xlane v3, v0;
	_ =	sdelay $0x1  }
0x16d: {  	v4 =	vadd.s32 v1, v4;
	_ =	sdelay $0x3  }
0x16e: {  	s14 =	simm.s32 $0x8080  }
0x16f: {  	[tilespmem:s14], [sflag:$0x1] =	stream.indirect_vreg.gather [hbm4b:s1+s3], $0x80, v4, vm0, $0xb8;
	[tilespmem:$0x10080] =	vst v63  }
0x170: {  	s15 =	simm.s32 $0x8880;
	v3 =	vperm.xlane v3, v2  }
0x171: {  	[tilespmem:s15], [sflag:$0x1] =	stream.indirect_vreg.gather [hbm4b:s4+s3], $0x80, v4, vm0, $0xb8;
	[tilespmem:$0x10080] =	vst v63  }
0x172: {  	s10 =	simm.s32 $0x9080;
	v3 =	vadd.s32 v1, v3  }
0x173: {  	[tilespmem:s10], [sflag:$0x1] =	stream.indirect_vreg.gather [hbm4b:s5+s3], $0x80, v4, vm0, $0xb8;
	[tilespmem:$0x10080] =	vst v63  }
0x174: {  	s11 =	simm.s32 $0x9880  }
0x175: {  	[tilespmem:s11], [sflag:$0x1] =	stream.indirect_vreg.gather [hbm4b:s6+s3], $0x80, v4, vm0, $0xb8;
	[tilespmem:$0x10080] =	vst v63  }
0x176: {  	s12 =	simm.s32 $0xA080  }
0x177: {  	[tilespmem:s12], [sflag:$0x1] =	stream.indirect_vreg.gather [hbm4b:s1+s3], $0x80, v3, vm0, $0xb8;
	[tilespmem:$0x10080] =	vst v63  }
0x178: {  	s31 =	simm.s32 $0xA880  }
0x179: {  	[tilespmem:s31], [sflag:$0x1] =	stream.indirect_vreg.gather [hbm4b:s4+s3], $0x80, v3, vm0, $0xb8;
	[tilespmem:$0x10080] =	vst v63  }
0x17a: {  	s19 =	simm.s32 $0xB080  }
0x17b: {  	[tilespmem:s19], [sflag:$0x1] =	stream.indirect_vreg.gather [hbm4b:s5+s3], $0x80, v3, vm0, $0xb8;
	[tilespmem:$0x10080] =	vst v63  }
0x17c: {  	s21 =	simm.s32 $0xB880  }
0x17d: {  	[tilespmem:s21], [sflag:$0x1] =	stream.indirect_vreg.gather [hbm4b:s6+s3], $0x80, v3, vm0, $0xb8;
	[tilespmem:$0x10080] =	vst v63  }
0x17e: {  	v3 =	vld [tilespmem:$0x30];
	_ =	sdelay $0x4  }
0x17f: {  	v63 =	vshll.u32 v3, $0x3  }
0x180: {  	v3 =	vand.u32 $0x7, v3;
	v4 =	vand.u32 $0xFFFFFFC0, v63  }
0x181: {  	v3 =	vor.u32 v3, v4  }
0x182: {  	v4 =	vperm.xlane v3, v0;
	_ =	sdelay $0x1  }
0x183: {  	v4 =	vadd.s32 v1, v4;
	_ =	sdelay $0x3  }
0x184: {  	s29 =	simm.s32 $0xC080  }
0x185: {  	[tilespmem:s29], [sflag:$0x1] =	stream.indirect_vreg.gather [hbm4b:s1+s3], $0x80, v4, vm0, $0xb8;
	[tilespmem:$0x10080] =	vst v63  }
0x186: {  	s30 =	simm.s32 $0xC880;
	v3 =	vperm.xlane v3, v2  }
0x187: {  	[tilespmem:s30], [sflag:$0x1] =	stream.indirect_vreg.gather [hbm4b:s4+s3], $0x80, v4, vm0, $0xb8;
	[tilespmem:$0x10080] =	vst v63  }
0x188: {  	s28 =	simm.s32 $0xD080;
	v3 =	vadd.s32 v1, v3  }
0x189: {  	[tilespmem:s28], [sflag:$0x1] =	stream.indirect_vreg.gather [hbm4b:s5+s3], $0x80, v4, vm0, $0xb8;
	[tilespmem:$0x10080] =	vst v63  }
0x18a: {  	s20 =	simm.s32 $0xD880  }
0x18b: {  	[tilespmem:s20], [sflag:$0x1] =	stream.indirect_vreg.gather [hbm4b:s6+s3], $0x80, v4, vm0, $0xb8;
	[tilespmem:$0x10080] =	vst v63  }
0x18c: {  	s24 =	simm.s32 $0xE080  }
0x18d: {  	[tilespmem:s24], [sflag:$0x1] =	stream.indirect_vreg.gather [hbm4b:s1+s3], $0x80, v3, vm0, $0xb8;
	[tilespmem:$0x10080] =	vst v63  }
0x18e: {  	s22 =	simm.s32 $0xE880  }
0x18f: {  	[tilespmem:s22], [sflag:$0x1] =	stream.indirect_vreg.gather [hbm4b:s4+s3], $0x80, v3, vm0, $0xb8;
	[tilespmem:$0x10080] =	vst v63  }
0x190: {  	s25 =	simm.s32 $0xF080  }
0x191: {  	[tilespmem:s25], [sflag:$0x1] =	stream.indirect_vreg.gather [hbm4b:s5+s3], $0x80, v3, vm0, $0xb8;
	[tilespmem:$0x10080] =	vst v63  }
0x192: {  	s26 =	simm.s32 $0xF880  }
0x193: {  	[tilespmem:s26], [sflag:$0x1] =	stream.indirect_vreg.gather [hbm4b:s6+s3], $0x80, v3, vm0, $0xb8;
	[tilespmem:$0x10080] =	vst v63  }
0x194: {  	_ =	swait.ge [sflag:s18], $0x10000  }
0x195: {  	p0 =	sne.s32 s7, $0x1;
	[sflag:s18] =	ssyncset.done $0x0  }
.Ltmp0:
0x196: {  	s31 =	rddreg [dreg:$0xb];
	[sflag:s18] =	ssyncadd.s32 $0xFFFF0000;
	(pc) =	sbr.rel @p0 .LBB2_1-.Ltmp0, $4  }
0x197: {  	[hbm4b:s31+s3] =	stream.linear.scatter [tilespmem:s23], [sflag:$0x2], $0x10000, $0x38;
	[tilespmem:$0x10080] =	vst v63  }
0x198: {  	_ =	swait.ge [sflag:s8], $0x10000  }
0x199: {  	[sflag:s8] =	ssyncset.done $0x0  }
0x19a: {  	s7 =	sadd.s32 $0xFFFFFFFF, s7;
	[sflag:s8] =	ssyncadd.s32 $0xFFFF0000  }
0x19b: {  	_ =	sfence.sel $0x180000  }
0x19c: {  	[bflag:$0x0] =	sbarrier.arrive $0xFFFF  }
0x19d: {  	_ =	strace $0x90000047  }
0x19e: {  	s0 =	stileid.u32;
	[bflag:$0x2] =	sbarrier.arrive $0xFFFF  }
0x19f: {  	p0 =	sne.s32 s0, $0x0;
	s0 =	rddreg [dreg:$0x3]  }
0x1a0: {  	s0 =	sadd.s32 @!p0 $0x100000, s0  }
0x1a1: {  	[sflag:s0] =	ssyncadd.tile.s32 @!p0 $0x1;
	_ =	shalt  }
.Lfunc_end2:
_tile_overlayer_lowered:
.L_overlay_start_2:
0x1a2: {  	(tag) =	ssettag $0x2  }
0x1a3: {  	s0 =	rddreg [dreg:$0x0];
	s2 =	stileid.u32  }
0x1a4: {  	s1 =	rddreg [dreg:$0x1];
	p0 =	sne.s32 s2, $0x0  }
0x1a5: {  	s3 =	rddreg [dreg:$0x2];
	[bflag:$0x3] =	sbarrier.arrive $0xFFFF;
	s2 =	simm.s32 @!p0 $0x1C02  }
0x1a6: {  	[timem:s3], [sflag:s2] =	dma.local @!p0 [hbm:s0], s1  }
0x1a7: {  	s0 =	simm.s32 @!p0 $0x2  }
0x1a8: {  	_ =	swait.ge @!p0 [sflag:s0], s1  }
0x1a9: {  	s1 =	ssub.s32 @!p0 $0x0, s1;
	[sflag:s0] =	ssyncset.done @!p0 $0x0  }
0x1aa: {  	[sflag:s0] =	ssyncadd.s32 @!p0 s1  }
0x1ab: {  	[bflag:$0x3] =	sbarrier.arrive $0xFFFF  }
0x1ac: {  	_ =	shalt  }

</sc_bundles>
